<compile_context>
chip_gen: v7x
topology: tpu7x:2x2x1
jax: 0.10.2.dev20260603
libtpu: 0.0.44.dev20260713+nightly
codegen_flags: <defaults>
</compile_context>

<pallas_src>
import functools

import jax
import jax.numpy as jnp
from jax import lax
from jax.experimental import pallas as pl
from jax.experimental.pallas import tpu as pltpu
from jax.experimental.pallas import tpu_sc as plsc

N_NODES = 10000
N_EDGES = 320000
D = 128

NC = 2
NS = 16
L = 16
NW = NC * NS
EPW = N_EDGES // NW
CHUNK = 80
NCHUNK = EPW // CHUNK
N_PAD = 10240
RPT = N_PAD // NS
ZROWS = 64


def _mm_body(x_ref, w_ref, o_ref):
    o_ref[...] = jnp.dot(x_ref[...], w_ref[...], preferred_element_type=jnp.float32)


def _matmul(x, W):
    BM = 2000
    return pl.pallas_call(
        _mm_body,
        grid=(N_NODES // BM,),
        in_specs=[
            pl.BlockSpec((BM, D), lambda i: (i, 0)),
            pl.BlockSpec((D, D), lambda i: (0, 0)),
        ],
        out_specs=pl.BlockSpec((BM, D), lambda i: (i, 0)),
        out_shape=jax.ShapeDtypeStruct((N_NODES, D), jnp.float32),
    )(x, W)


def _sc_body(h_hbm, row_hbm, col_hbm, w_hbm, part_hbm,
             colv, rowv, wv, rows_v, zer_v, accum, sem):
    cid = lax.axis_index("c")
    sid = lax.axis_index("s")
    wid = sid * NC + cid

    def z1(i, _):
        r = i // (D // L)
        g = i % (D // L)
        zer_v[r, pl.ds(g * L, L)] = jnp.zeros((L,), jnp.float32)
        return 0
    lax.fori_loop(0, ZROWS * (D // L), z1, 0)

    base_rows = sid * RPT

    def z2(k, _):
        pltpu.sync_copy(zer_v, accum.at[pl.ds(base_rows + k * ZROWS, ZROWS)])
        return 0
    lax.fori_loop(0, RPT // ZROWS, z2, 0)
    plsc.subcore_barrier()

    ebase = wid * EPW

    def chunk_body(i, _):
        off = ebase + i * CHUNK
        pltpu.sync_copy(col_hbm.at[pl.ds(off, CHUNK)], colv)
        pltpu.sync_copy(row_hbm.at[pl.ds(off, CHUNK)], rowv)
        pltpu.sync_copy(w_hbm.at[pl.ds(off, CHUNK)], wv)
        pltpu.async_copy(h_hbm.at[colv], rows_v, sem).wait()

        def scale(g, _):
            wg = wv[pl.ds(g * L, L)]
            for l in range(L):
                e = g * L + l
                wb = jnp.full((L,), wg[l], jnp.float32)
                for d in range(D // L):
                    sl = pl.ds(d * L, L)
                    rows_v[e, sl] = rows_v[e, sl] * wb
            return 0
        lax.fori_loop(0, CHUNK // L, scale, 0)

        pltpu.sync_copy(rows_v, accum.at[rowv], add=True)
        return 0
    lax.fori_loop(0, NCHUNK, chunk_body, 0)
    plsc.subcore_barrier()

    def wout(k, _):
        r0 = base_rows + k * ZROWS
        pltpu.sync_copy(accum.at[pl.ds(r0, ZROWS)], part_hbm.at[cid, pl.ds(r0, ZROWS)])
        return 0
    lax.fori_loop(0, RPT // ZROWS, wout, 0)


def _sc_spmm(h, row, col, w):
    mesh = plsc.VectorSubcoreMesh(
        core_axis_name="c", subcore_axis_name="s", num_cores=NC, num_subcores=NS)
    f = pl.kernel(
        _sc_body,
        out_type=jax.ShapeDtypeStruct((NC, N_PAD, D), jnp.float32),
        mesh=mesh,
        scratch_types=[
            pltpu.VMEM((CHUNK,), jnp.int32),
            pltpu.VMEM((CHUNK,), jnp.int32),
            pltpu.VMEM((CHUNK,), jnp.float32),
            pltpu.VMEM((CHUNK, D), jnp.float32),
            pltpu.VMEM((ZROWS, D), jnp.float32),
            pltpu.VMEM_SHARED((N_PAD, D), jnp.float32),
            pltpu.SemaphoreType.DMA,
        ],
    )
    return f(h, row, col, w)


def _comb_body(p_ref, b_ref, o_ref):
    o_ref[...] = p_ref[0] + p_ref[1] + b_ref[...]


def _combine(parts, b):
    BM = 2000
    return pl.pallas_call(
        _comb_body,
        grid=(N_NODES // BM,),
        in_specs=[
            pl.BlockSpec((NC, BM, D), lambda i: (0, i, 0)),
            pl.BlockSpec((1, D), lambda i: (0, 0)),
        ],
        out_specs=pl.BlockSpec((BM, D), lambda i: (i, 0)),
        out_shape=jax.ShapeDtypeStruct((N_NODES, D), jnp.float32),
    )(parts, b.reshape(1, D))


def kernel(x, edge_index, edge_weight, W, b):
    h = _matmul(x, W)
    row = edge_index[0]
    col = edge_index[1]
    parts = _sc_spmm(h, row, col, edge_weight)
    return _combine(parts, b)

# --- scband reference (transcript-rebuilt; emitter-appended) ---
"""Pipeline reference for scband-graph-convolution-584115552306 (READ-ONLY COPY).

The authoritative reference and input builder live on the scoring server;
editing this copy changes nothing except your own understanding.
"""

import jax, jax.numpy as jnp
import numpy as np

N = 10000
E = 320000
D_IN = 128
D_OUT = 128


def setup_inputs(seed: int = 0) -> dict:
    key = jax.random.key(seed)
    k1, k2, k3, k4, k5 = jax.random.split(key, 5)
    x = jax.random.normal(k1, (N, D_IN), dtype=jnp.float32)
    edge_index = jax.random.randint(k2, (2, E), 0, N)
    edge_weight = jax.random.uniform(k3, (E,), dtype=jnp.float32)
    stdv = 1.0 / np.sqrt(D_OUT)
    W = jax.random.uniform(k4, (D_IN, D_OUT), minval=-stdv, maxval=stdv, dtype=jnp.float32)
    b = jax.random.uniform(k5, (D_OUT,), minval=-stdv, maxval=stdv, dtype=jnp.float32)
    return {"x": x, "edge_index": edge_index, "edge_weight": edge_weight, "W": W, "b": b}


def reference(x, edge_index, edge_weight, W, b):
    # output = input @ weight
    h = x @ W
    # gspmm(mul, sum) on graph (column -> row): out[row] += val * h[column]
    # i.e. out = A @ h where A is COO sparse with (row, column, value)
    row = edge_index[0]
    col = edge_index[1]
    msg = jnp.take(h, col, axis=0) * edge_weight[:, None]
    out = jax.ops.segment_sum(msg, row, num_segments=N)
    return out + b

if __name__ == "__main__":
    import jax
    _d = setup_inputs()
    print(jax.jit(kernel)(*tuple(_d.values())))

</pallas_src>

<mosaic_0001>
#map = affine_map<(d0, d1) -> (0, 0)>
#map1 = affine_map<(d0, d1) -> (0)>
#map2 = affine_map<(d0, d1) -> (0, 0, 0)>
module attributes {stable_mosaic.version = 14 : i64} {
  func.func @_sc_body(%arg0: i32, %arg1: i32, %arg2: memref<10000x128xf32, #tpu.memory_space<hbm>>, %arg3: memref<320000xi32, #tpu.memory_space<hbm>>, %arg4: memref<320000xi32, #tpu.memory_space<hbm>>, %arg5: memref<320000xf32, #tpu.memory_space<hbm>>, %arg6: memref<2x10240x128xf32, #tpu.memory_space<hbm>>, %arg7: memref<80xi32, #tpu.memory_space<vmem>>, %arg8: memref<80xi32, #tpu.memory_space<vmem>>, %arg9: memref<80xf32, #tpu.memory_space<vmem>>, %arg10: memref<80x128xf32, #tpu.memory_space<vmem>>, %arg11: memref<64x128xf32, #tpu.memory_space<vmem>>, %arg12: memref<10240x128xf32, #tpu.memory_space<vmem_shared>>, %arg13: memref<!tpu.dma_semaphore, #tpu.memory_space<semaphore_mem>>) attributes {dimension_semantics = [#tpu.dimension_semantics<core_parallel>, #tpu.dimension_semantics<subcore_parallel>], iteration_bounds = array<i64: 2, 16>, scalar_prefetch = 0 : i64, scratch_operands = 7 : i64, tpu.core_type = #tpu.core_type<sc_vector_subcore>, window_params = [{transform_indices = #map}, {transform_indices = #map1}, {transform_indices = #map1}, {transform_indices = #map1}, {transform_indices = #map2}]} {
    %mul3A = arith.constant 2 : i32
    %mul3A_0 = arith.muli %arg1, %mul3A : i32
    %add3A = arith.addi %mul3A_0, %arg0 : i32
    %scan3A = arith.constant 0 : i32
    %scan3A_1 = arith.constant 0 : i32
    %scan3A_2 = arith.constant 512 : i32
    %scan3A_3 = arith.addi %scan3A_1, %scan3A_2 : i32
    %scan3A_4 = arith.constant 1 : i32
    %scan3A_5 = scf.for %scan3A_33 = %scan3A_1 to %scan3A_3 step %scan3A_4 iter_args(%scan3A_34 = %scan3A) -> (i32)  : i32 {
      %jit3A = arith.constant 8 : i32
      %div3A = arith.divsi %scan3A_33, %jit3A : i32
      %sign3A = arith.constant 0 : i32
      %sign3A_35 = arith.cmpi sgt, %scan3A_33, %sign3A : i32
      %sign3A_36 = arith.extui %sign3A_35 : i1 to i32
      %sign3A_37 = arith.constant 0 : i32
      %sign3A_38 = arith.cmpi slt, %scan3A_33, %sign3A_37 : i32
      %sign3A_39 = arith.extui %sign3A_38 : i1 to i32
      %sign3A_40 = arith.subi %sign3A_36, %sign3A_39 : i32
      %sign3A_41 = arith.constant 0 : i32
      %sign3A_42 = arith.cmpi sgt, %jit3A, %sign3A_41 : i32
      %sign3A_43 = arith.extui %sign3A_42 : i1 to i32
      %sign3A_44 = arith.constant 0 : i32
      %sign3A_45 = arith.cmpi slt, %jit3A, %sign3A_44 : i32
      %sign3A_46 = arith.extui %sign3A_45 : i1 to i32
      %sign3A_47 = arith.subi %sign3A_43, %sign3A_46 : i32
      %ne3A = arith.cmpi ne, %sign3A_40, %sign3A_47 : i32
      %rem3A = arith.remsi %scan3A_33, %jit3A : i32
      %ne3A_48 = arith.constant 0 : i32
      %ne3A_49 = arith.cmpi ne, %rem3A, %ne3A_48 : i32
      %and3A = arith.andi %ne3A, %ne3A_49 : i1
      %sub3A = arith.constant 1 : i32
      %sub3A_50 = arith.subi %div3A, %sub3A : i32
      %select_n3A = arith.select %and3A, %sub3A_50, %div3A : i32
      %jit3A_51 = arith.constant 8 : i32
      %eq3A = arith.constant 0 : i32
      %eq3A_52 = arith.cmpi eq, %jit3A_51, %eq3A : i32
      %jit3A_53 = arith.constant 1 : i32
      %select_n3A_54 = arith.select %eq3A_52, %jit3A_53, %jit3A_51 : i32
      %rem3A_55 = arith.remsi %scan3A_33, %select_n3A_54 : i32
      %ne3A_56 = arith.constant 0 : i32
      %ne3A_57 = arith.cmpi ne, %rem3A_55, %ne3A_56 : i32
      %lt3A = arith.constant 0 : i32
      %lt3A_58 = arith.cmpi slt, %rem3A_55, %lt3A : i32
      %lt3A_59 = arith.constant 0 : i32
      %lt3A_60 = arith.cmpi slt, %select_n3A_54, %lt3A_59 : i32
      %ne3A_61 = arith.xori %lt3A_58, %lt3A_60 : i1
      %and3A_62 = arith.andi %ne3A_61, %ne3A_57 : i1
      %add3A_63 = arith.addi %rem3A_55, %select_n3A_54 : i32
      %select_n3A_64 = arith.select %and3A_62, %add3A_63, %rem3A_55 : i32
      %broadcast_in_dim3A = arith.constant 0.000000e+00 : f32
      %broadcast_in_dim3A_65 = vector.broadcast %broadcast_in_dim3A : f32 to vector<16xf32>
      %mul3A_66 = arith.constant 16 : i32
      %mul3A_67 = arith.muli %select_n3A_64, %mul3A_66 : i32
      %swap3A = arith.index_cast %select_n3A : i32 to index
      %swap3A_68 = arith.index_cast %mul3A_67 : i32 to index
      %swap3A_69 = tpu.vector_load %arg11[%swap3A, %swap3A_68] {strides = array<i32>} : memref<64x128xf32, #tpu.memory_space<vmem>>, vector<1x16xf32>,
      %swap3A_70 = vector.shape_cast %swap3A_69 : vector<1x16xf32> to vector<16xf32>
      %swap3A_71 = vector.shape_cast %broadcast_in_dim3A_65 : vector<16xf32> to vector<1x16xf32>
      tpu.vector_store %arg11[%swap3A, %swap3A_68], %swap3A_71 {strides = array<i32>} : memref<64x128xf32, #tpu.memory_space<vmem>>, vector<1x16xf32>,
      %scan3A_72 = arith.constant 0 : i32
      scf.yield %scan3A_72 : i32
    }
    %scan3A_6 = arith.constant 512 : i32
    %mul3A_7 = arith.constant 640 : i32
    %mul3A_8 = arith.muli %arg1, %mul3A_7 : i32
    %scan3A_9 = arith.constant 0 : i32
    %scan3A_10 = arith.constant 0 : i32
    %scan3A_11 = arith.constant 10 : i32
    %scan3A_12 = arith.addi %scan3A_10, %scan3A_11 : i32
    %scan3A_13 = arith.constant 1 : i32
    %scan3A_14 = scf.for %scan3A_33 = %scan3A_10 to %scan3A_12 step %scan3A_13 iter_args(%scan3A_34 = %scan3A_9) -> (i32)  : i32 {
      %mul3A_35 = arith.constant 64 : i32
      %mul3A_36 = arith.muli %scan3A_33, %mul3A_35 : i32
      %add3A_37 = arith.addi %mul3A_8, %mul3A_36 : i32
      "tpu.region"() ({
        %run_scoped3A = tpu.sem_alloc : memref<!tpu.dma_semaphore, #tpu.memory_space<semaphore_mem>>
        %dma_start3A = arith.constant 0 : i32
        %dma_start3A_39 = tpu.memref_slice %arg12[%add3A_37, %dma_start3A] : memref<10240x128xf32, #tpu.memory_space<vmem_shared>> -> memref<64x128xf32, #tpu.memory_space<vmem_shared>>
        %dma_start3A_40 = arith.constant 0 : i32
        %dma_start3A_41 = tpu.memref_slice %arg12[%add3A_37, %dma_start3A_40] : memref<10240x128xf32, #tpu.memory_space<vmem_shared>> -> memref<64x128xf32, #tpu.memory_space<vmem_shared>>
        tpu.enqueue_dma source(%arg11 : memref<64x128xf32, #tpu.memory_space<vmem>>) target(%dma_start3A_41 : memref<64x128xf32, #tpu.memory_space<vmem_shared>>) target_semaphore(%run_scoped3A : memref<!tpu.dma_semaphore, #tpu.memory_space<semaphore_mem>>)
        %dma_wait3A = arith.constant 0 : i32
        %dma_wait3A_42 = tpu.memref_slice %arg12[%add3A_37, %dma_wait3A] : memref<10240x128xf32, #tpu.memory_space<vmem_shared>> -> memref<64x128xf32, #tpu.memory_space<vmem_shared>>
        %dma_wait3A_43 = arith.constant 0 : i32
        %dma_wait3A_44 = tpu.memref_slice %arg12[%add3A_37, %dma_wait3A_43] : memref<10240x128xf32, #tpu.memory_space<vmem_shared>> -> memref<64x128xf32, #tpu.memory_space<vmem_shared>>
        tpu.wait_dma2 semaphore(%run_scoped3A : memref<!tpu.dma_semaphore, #tpu.memory_space<semaphore_mem>>) src(%arg11 : memref<64x128xf32, #tpu.memory_space<vmem>>) dst(%dma_wait3A_44 : memref<64x128xf32, #tpu.memory_space<vmem_shared>>)
        tpu.yield
      }) : () -> ()
      %scan3A_38 = arith.constant 0 : i32
      scf.yield %scan3A_38 : i32
    }
    %scan3A_15 = arith.constant 10 : i32
    %barrier3A = arith.constant 0 : index
    tpu.barrier barrier_id(%barrier3A)
    %mul3A_16 = arith.constant 10000 : i32
    %mul3A_17 = arith.muli %add3A, %mul3A_16 : i32
    %scan3A_18 = arith.constant 0 : i32
    %scan3A_19 = arith.constant 0 : i32
    %scan3A_20 = arith.constant 125 : i32
    %scan3A_21 = arith.addi %scan3A_19, %scan3A_20 : i32
    %scan3A_22 = arith.constant 1 : i32
    %scan3A_23 = scf.for %scan3A_33 = %scan3A_19 to %scan3A_21 step %scan3A_22 iter_args(%scan3A_34 = %scan3A_18) -> (i32)  : i32 {
      %mul3A_35 = arith.constant 80 : i32
      %mul3A_36 = arith.muli %scan3A_33, %mul3A_35 : i32
      %add3A_37 = arith.addi %mul3A_17, %mul3A_36 : i32
      "tpu.region"() ({
        %run_scoped3A = tpu.sem_alloc : memref<!tpu.dma_semaphore, #tpu.memory_space<semaphore_mem>>
        %dma_start3A_50 = tpu.memref_slice %arg4[%add3A_37] : memref<320000xi32, #tpu.memory_space<hbm>> -> memref<80xi32, #tpu.memory_space<hbm>>
        %dma_start3A_51 = tpu.memref_slice %arg4[%add3A_37] : memref<320000xi32, #tpu.memory_space<hbm>> -> memref<80xi32, #tpu.memory_space<hbm>>
        tpu.enqueue_dma source(%dma_start3A_51 : memref<80xi32, #tpu.memory_space<hbm>>) target(%arg7 : memref<80xi32, #tpu.memory_space<vmem>>) target_semaphore(%run_scoped3A : memref<!tpu.dma_semaphore, #tpu.memory_space<semaphore_mem>>)
        %dma_wait3A_52 = tpu.memref_slice %arg4[%add3A_37] : memref<320000xi32, #tpu.memory_space<hbm>> -> memref<80xi32, #tpu.memory_space<hbm>>
        %dma_wait3A_53 = tpu.memref_slice %arg4[%add3A_37] : memref<320000xi32, #tpu.memory_space<hbm>> -> memref<80xi32, #tpu.memory_space<hbm>>
        tpu.wait_dma2 semaphore(%run_scoped3A : memref<!tpu.dma_semaphore, #tpu.memory_space<semaphore_mem>>) src(%dma_wait3A_53 : memref<80xi32, #tpu.memory_space<hbm>>) dst(%arg7 : memref<80xi32, #tpu.memory_space<vmem>>)
        tpu.yield
      }) : () -> ()
      "tpu.region"() ({
        %run_scoped3A = tpu.sem_alloc : memref<!tpu.dma_semaphore, #tpu.memory_space<semaphore_mem>>
        %dma_start3A_50 = tpu.memref_slice %arg3[%add3A_37] : memref<320000xi32, #tpu.memory_space<hbm>> -> memref<80xi32, #tpu.memory_space<hbm>>
        %dma_start3A_51 = tpu.memref_slice %arg3[%add3A_37] : memref<320000xi32, #tpu.memory_space<hbm>> -> memref<80xi32, #tpu.memory_space<hbm>>
        tpu.enqueue_dma source(%dma_start3A_51 : memref<80xi32, #tpu.memory_space<hbm>>) target(%arg8 : memref<80xi32, #tpu.memory_space<vmem>>) target_semaphore(%run_scoped3A : memref<!tpu.dma_semaphore, #tpu.memory_space<semaphore_mem>>)
        %dma_wait3A_52 = tpu.memref_slice %arg3[%add3A_37] : memref<320000xi32, #tpu.memory_space<hbm>> -> memref<80xi32, #tpu.memory_space<hbm>>
        %dma_wait3A_53 = tpu.memref_slice %arg3[%add3A_37] : memref<320000xi32, #tpu.memory_space<hbm>> -> memref<80xi32, #tpu.memory_space<hbm>>
        tpu.wait_dma2 semaphore(%run_scoped3A : memref<!tpu.dma_semaphore, #tpu.memory_space<semaphore_mem>>) src(%dma_wait3A_53 : memref<80xi32, #tpu.memory_space<hbm>>) dst(%arg8 : memref<80xi32, #tpu.memory_space<vmem>>)
        tpu.yield
      }) : () -> ()
      "tpu.region"() ({
        %run_scoped3A = tpu.sem_alloc : memref<!tpu.dma_semaphore, #tpu.memory_space<semaphore_mem>>
        %dma_start3A_50 = tpu.memref_slice %arg5[%add3A_37] : memref<320000xf32, #tpu.memory_space<hbm>> -> memref<80xf32, #tpu.memory_space<hbm>>
        %dma_start3A_51 = tpu.memref_slice %arg5[%add3A_37] : memref<320000xf32, #tpu.memory_space<hbm>> -> memref<80xf32, #tpu.memory_space<hbm>>
        tpu.enqueue_dma source(%dma_start3A_51 : memref<80xf32, #tpu.memory_space<hbm>>) target(%arg9 : memref<80xf32, #tpu.memory_space<vmem>>) target_semaphore(%run_scoped3A : memref<!tpu.dma_semaphore, #tpu.memory_space<semaphore_mem>>)
        %dma_wait3A_52 = tpu.memref_slice %arg5[%add3A_37] : memref<320000xf32, #tpu.memory_space<hbm>> -> memref<80xf32, #tpu.memory_space<hbm>>
        %dma_wait3A_53 = tpu.memref_slice %arg5[%add3A_37] : memref<320000xf32, #tpu.memory_space<hbm>> -> memref<80xf32, #tpu.memory_space<hbm>>
        tpu.wait_dma2 semaphore(%run_scoped3A : memref<!tpu.dma_semaphore, #tpu.memory_space<semaphore_mem>>) src(%dma_wait3A_53 : memref<80xf32, #tpu.memory_space<hbm>>) dst(%arg9 : memref<80xf32, #tpu.memory_space<vmem>>)
        tpu.yield
      }) : () -> ()
      %dma_start3A = arith.constant 0 : i32
      %dma_start3A_38 = arith.constant 0 : i32
      %dma_start3A_39 = tpu.memref_slice %arg2[%dma_start3A, %dma_start3A_38] : memref<10000x128xf32, #tpu.memory_space<hbm>> -> memref<10000x128xf32, #tpu.memory_space<hbm>>
      tpu.enqueue_indirect_dma source(%dma_start3A_39 : memref<10000x128xf32, #tpu.memory_space<hbm>>) target(%arg10 : memref<80x128xf32, #tpu.memory_space<vmem>>) offsets(%arg7 : memref<80xi32, #tpu.memory_space<vmem>>) semaphore(%arg13 : memref<!tpu.dma_semaphore, #tpu.memory_space<semaphore_mem>>)
      %dma_wait3A = arith.constant 0 : i32
      %dma_wait3A_40 = arith.constant 0 : i32
      %dma_wait3A_41 = tpu.memref_slice %arg2[%dma_wait3A, %dma_wait3A_40] : memref<10000x128xf32, #tpu.memory_space<hbm>> -> memref<10000x128xf32, #tpu.memory_space<hbm>>
      tpu.wait_indirect_dma semaphore(%arg13 : memref<!tpu.dma_semaphore, #tpu.memory_space<semaphore_mem>>) src(%dma_wait3A_41 : memref<10000x128xf32, #tpu.memory_space<hbm>>) dst(%arg10 : memref<80x128xf32, #tpu.memory_space<vmem>>)
      %scan3A_42 = arith.constant 0 : i32
      %scan3A_43 = arith.constant 0 : i32
      %scan3A_44 = arith.constant 5 : i32
      %scan3A_45 = arith.addi %scan3A_43, %scan3A_44 : i32
      %scan3A_46 = arith.constant 1 : i32
      %scan3A_47 = scf.for %scan3A_50 = %scan3A_43 to %scan3A_45 step %scan3A_46 iter_args(%scan3A_51 = %scan3A_42) -> (i32)  : i32 {
        %mul3A_52 = arith.constant 16 : i32
        %mul3A_53 = arith.muli %scan3A_50, %mul3A_52 : i32
        %get3A = arith.index_cast %mul3A_53 : i32 to index
        %get3A_54 = tpu.vector_load %arg9[%get3A] {strides = array<i32>} : memref<80xf32, #tpu.memory_space<vmem>>, vector<16xf32>,
        %get3A_55 = vector.shape_cast %get3A_54 : vector<16xf32> to vector<16xf32>
        %mul3A_56 = arith.constant 16 : i32
        %mul3A_57 = arith.muli %scan3A_50, %mul3A_56 : i32
        %add3A_58 = arith.constant 0 : i32
        %add3A_59 = arith.addi %mul3A_57, %add3A_58 : i32
        %slice3A = vector.extract_strided_slice %get3A_55 {offsets = [0], sizes = [1], strides = [1]} : vector<16xf32> to vector<1xf32>
        %squeeze3A = vector.extract %slice3A[0] : f32 from vector<1xf32>
        %broadcast_in_dim3A = vector.broadcast %squeeze3A : f32 to vector<16xf32>
        %get3A_60 = arith.index_cast %add3A_59 : i32 to index
        %get3A_61 = arith.constant 0 : index
        %get3A_62 = tpu.vector_load %arg10[%get3A_60, %get3A_61] {strides = array<i32>} : memref<80x128xf32, #tpu.memory_space<vmem>>, vector<1x16xf32>,
        %get3A_63 = vector.shape_cast %get3A_62 : vector<1x16xf32> to vector<16xf32>
        %mul3A_64 = arith.mulf %get3A_63, %broadcast_in_dim3A : vector<16xf32>
        %swap3A = arith.index_cast %add3A_59 : i32 to index
        %swap3A_65 = arith.constant 0 : index
        %swap3A_66 = tpu.vector_load %arg10[%swap3A, %swap3A_65] {strides = array<i32>} : memref<80x128xf32, #tpu.memory_space<vmem>>, vector<1x16xf32>,
        %swap3A_67 = vector.shape_cast %swap3A_66 : vector<1x16xf32> to vector<16xf32>
        %swap3A_68 = vector.shape_cast %mul3A_64 : vector<16xf32> to vector<1x16xf32>
        tpu.vector_store %arg10[%swap3A, %swap3A_65], %swap3A_68 {strides = array<i32>} : memref<80x128xf32, #tpu.memory_space<vmem>>, vector<1x16xf32>,
        %get3A_69 = arith.index_cast %add3A_59 : i32 to index
        %get3A_70 = arith.constant 16 : index
        %get3A_71 = tpu.vector_load %arg10[%get3A_69, %get3A_70] {strides = array<i32>} : memref<80x128xf32, #tpu.memory_space<vmem>>, vector<1x16xf32>,
        %get3A_72 = vector.shape_cast %get3A_71 : vector<1x16xf32> to vector<16xf32>
        %mul3A_73 = arith.mulf %get3A_72, %broadcast_in_dim3A : vector<16xf32>
        %swap3A_74 = arith.index_cast %add3A_59 : i32 to index
        %swap3A_75 = arith.constant 16 : index
        %swap3A_76 = tpu.vector_load %arg10[%swap3A_74, %swap3A_75] {strides = array<i32>} : memref<80x128xf32, #tpu.memory_space<vmem>>, vector<1x16xf32>,
        %swap3A_77 = vector.shape_cast %swap3A_76 : vector<1x16xf32> to vector<16xf32>
        %swap3A_78 = vector.shape_cast %mul3A_73 : vector<16xf32> to vector<1x16xf32>
        tpu.vector_store %arg10[%swap3A_74, %swap3A_75], %swap3A_78 {strides = array<i32>} : memref<80x128xf32, #tpu.memory_space<vmem>>, vector<1x16xf32>,
        %get3A_79 = arith.index_cast %add3A_59 : i32 to index
        %get3A_80 = arith.constant 32 : index
        %get3A_81 = tpu.vector_load %arg10[%get3A_79, %get3A_80] {strides = array<i32>} : memref<80x128xf32, #tpu.memory_space<vmem>>, vector<1x16xf32>,
        %get3A_82 = vector.shape_cast %get3A_81 : vector<1x16xf32> to vector<16xf32>
        %mul3A_83 = arith.mulf %get3A_82, %broadcast_in_dim3A : vector<16xf32>
        %swap3A_84 = arith.index_cast %add3A_59 : i32 to index
        %swap3A_85 = arith.constant 32 : index
        %swap3A_86 = tpu.vector_load %arg10[%swap3A_84, %swap3A_85] {strides = array<i32>} : memref<80x128xf32, #tpu.memory_space<vmem>>, vector<1x16xf32>,
        %swap3A_87 = vector.shape_cast %swap3A_86 : vector<1x16xf32> to vector<16xf32>
        %swap3A_88 = vector.shape_cast %mul3A_83 : vector<16xf32> to vector<1x16xf32>
        tpu.vector_store %arg10[%swap3A_84, %swap3A_85], %swap3A_88 {strides = array<i32>} : memref<80x128xf32, #tpu.memory_space<vmem>>, vector<1x16xf32>,
        %get3A_89 = arith.index_cast %add3A_59 : i32 to index
        %get3A_90 = arith.constant 48 : index
        %get3A_91 = tpu.vector_load %arg10[%get3A_89, %get3A_90] {strides = array<i32>} : memref<80x128xf32, #tpu.memory_space<vmem>>, vector<1x16xf32>,
        %get3A_92 = vector.shape_cast %get3A_91 : vector<1x16xf32> to vector<16xf32>
        %mul3A_93 = arith.mulf %get3A_92, %broadcast_in_dim3A : vector<16xf32>
        %swap3A_94 = arith.index_cast %add3A_59 : i32 to index
        %swap3A_95 = arith.constant 48 : index
        %swap3A_96 = tpu.vector_load %arg10[%swap3A_94, %swap3A_95] {strides = array<i32>} : memref<80x128xf32, #tpu.memory_space<vmem>>, vector<1x16xf32>,
        %swap3A_97 = vector.shape_cast %swap3A_96 : vector<1x16xf32> to vector<16xf32>
        %swap3A_98 = vector.shape_cast %mul3A_93 : vector<16xf32> to vector<1x16xf32>
        tpu.vector_store %arg10[%swap3A_94, %swap3A_95], %swap3A_98 {strides = array<i32>} : memref<80x128xf32, #tpu.memory_space<vmem>>, vector<1x16xf32>,
        %get3A_99 = arith.index_cast %add3A_59 : i32 to index
        %get3A_100 = arith.constant 64 : index
        %get3A_101 = tpu.vector_load %arg10[%get3A_99, %get3A_100] {strides = array<i32>} : memref<80x128xf32, #tpu.memory_space<vmem>>, vector<1x16xf32>,
        %get3A_102 = vector.shape_cast %get3A_101 : vector<1x16xf32> to vector<16xf32>
        %mul3A_103 = arith.mulf %get3A_102, %broadcast_in_dim3A : vector<16xf32>
        %swap3A_104 = arith.index_cast %add3A_59 : i32 to index
        %swap3A_105 = arith.constant 64 : index
        %swap3A_106 = tpu.vector_load %arg10[%swap3A_104, %swap3A_105] {strides = array<i32>} : memref<80x128xf32, #tpu.memory_space<vmem>>, vector<1x16xf32>,
        %swap3A_107 = vector.shape_cast %swap3A_106 : vector<1x16xf32> to vector<16xf32>
        %swap3A_108 = vector.shape_cast %mul3A_103 : vector<16xf32> to vector<1x16xf32>
        tpu.vector_store %arg10[%swap3A_104, %swap3A_105], %swap3A_108 {strides = array<i32>} : memref<80x128xf32, #tpu.memory_space<vmem>>, vector<1x16xf32>,
        %get3A_109 = arith.index_cast %add3A_59 : i32 to index
        %get3A_110 = arith.constant 80 : index
        %get3A_111 = tpu.vector_load %arg10[%get3A_109, %get3A_110] {strides = array<i32>} : memref<80x128xf32, #tpu.memory_space<vmem>>, vector<1x16xf32>,
        %get3A_112 = vector.shape_cast %get3A_111 : vector<1x16xf32> to vector<16xf32>
        %mul3A_113 = arith.mulf %get3A_112, %broadcast_in_dim3A : vector<16xf32>
        %swap3A_114 = arith.index_cast %add3A_59 : i32 to index
        %swap3A_115 = arith.constant 80 : index
        %swap3A_116 = tpu.vector_load %arg10[%swap3A_114, %swap3A_115] {strides = array<i32>} : memref<80x128xf32, #tpu.memory_space<vmem>>, vector<1x16xf32>,
        %swap3A_117 = vector.shape_cast %swap3A_116 : vector<1x16xf32> to vector<16xf32>
        %swap3A_118 = vector.shape_cast %mul3A_113 : vector<16xf32> to vector<1x16xf32>
        tpu.vector_store %arg10[%swap3A_114, %swap3A_115], %swap3A_118 {strides = array<i32>} : memref<80x128xf32, #tpu.memory_space<vmem>>, vector<1x16xf32>,
        %get3A_119 = arith.index_cast %add3A_59 : i32 to index
        %get3A_120 = arith.constant 96 : index
        %get3A_121 = tpu.vector_load %arg10[%get3A_119, %get3A_120] {strides = array<i32>} : memref<80x128xf32, #tpu.memory_space<vmem>>, vector<1x16xf32>,
        %get3A_122 = vector.shape_cast %get3A_121 : vector<1x16xf32> to vector<16xf32>
        %mul3A_123 = arith.mulf %get3A_122, %broadcast_in_dim3A : vector<16xf32>
        %swap3A_124 = arith.index_cast %add3A_59 : i32 to index
        %swap3A_125 = arith.constant 96 : index
        %swap3A_126 = tpu.vector_load %arg10[%swap3A_124, %swap3A_125] {strides = array<i32>} : memref<80x128xf32, #tpu.memory_space<vmem>>, vector<1x16xf32>,
        %swap3A_127 = vector.shape_cast %swap3A_126 : vector<1x16xf32> to vector<16xf32>
        %swap3A_128 = vector.shape_cast %mul3A_123 : vector<16xf32> to vector<1x16xf32>
        tpu.vector_store %arg10[%swap3A_124, %swap3A_125], %swap3A_128 {strides = array<i32>} : memref<80x128xf32, #tpu.memory_space<vmem>>, vector<1x16xf32>,
        %get3A_129 = arith.index_cast %add3A_59 : i32 to index
        %get3A_130 = arith.constant 112 : index
        %get3A_131 = tpu.vector_load %arg10[%get3A_129, %get3A_130] {strides = array<i32>} : memref<80x128xf32, #tpu.memory_space<vmem>>, vector<1x16xf32>,
        %get3A_132 = vector.shape_cast %get3A_131 : vector<1x16xf32> to vector<16xf32>
        %mul3A_133 = arith.mulf %get3A_132, %broadcast_in_dim3A : vector<16xf32>
        %swap3A_134 = arith.index_cast %add3A_59 : i32 to index
        %swap3A_135 = arith.constant 112 : index
        %swap3A_136 = tpu.vector_load %arg10[%swap3A_134, %swap3A_135] {strides = array<i32>} : memref<80x128xf32, #tpu.memory_space<vmem>>, vector<1x16xf32>,
        %swap3A_137 = vector.shape_cast %swap3A_136 : vector<1x16xf32> to vector<16xf32>
        %swap3A_138 = vector.shape_cast %mul3A_133 : vector<16xf32> to vector<1x16xf32>
        tpu.vector_store %arg10[%swap3A_134, %swap3A_135], %swap3A_138 {strides = array<i32>} : memref<80x128xf32, #tpu.memory_space<vmem>>, vector<1x16xf32>,
        %mul3A_139 = arith.constant 16 : i32
        %mul3A_140 = arith.muli %scan3A_50, %mul3A_139 : i32
        %add3A_141 = arith.constant 1 : i32
        %add3A_142 = arith.addi %mul3A_140, %add3A_141 : i32
        %slice3A_143 = vector.extract_strided_slice %get3A_55 {offsets = [1], sizes = [1], strides = [1]} : vector<16xf32> to vector<1xf32>
        %squeeze3A_144 = vector.extract %slice3A_143[0] : f32 from vector<1xf32>
        %broadcast_in_dim3A_145 = vector.broadcast %squeeze3A_144 : f32 to vector<16xf32>
        %get3A_146 = arith.index_cast %add3A_142 : i32 to index
        %get3A_147 = arith.constant 0 : index
        %get3A_148 = tpu.vector_load %arg10[%get3A_146, %get3A_147] {strides = array<i32>} : memref<80x128xf32, #tpu.memory_space<vmem>>, vector<1x16xf32>,
        %get3A_149 = vector.shape_cast %get3A_148 : vector<1x16xf32> to vector<16xf32>
        %mul3A_150 = arith.mulf %get3A_149, %broadcast_in_dim3A_145 : vector<16xf32>
        %swap3A_151 = arith.index_cast %add3A_142 : i32 to index
        %swap3A_152 = arith.constant 0 : index
        %swap3A_153 = tpu.vector_load %arg10[%swap3A_151, %swap3A_152] {strides = array<i32>} : memref<80x128xf32, #tpu.memory_space<vmem>>, vector<1x16xf32>,
        %swap3A_154 = vector.shape_cast %swap3A_153 : vector<1x16xf32> to vector<16xf32>
        %swap3A_155 = vector.shape_cast %mul3A_150 : vector<16xf32> to vector<1x16xf32>
        tpu.vector_store %arg10[%swap3A_151, %swap3A_152], %swap3A_155 {strides = array<i32>} : memref<80x128xf32, #tpu.memory_space<vmem>>, vector<1x16xf32>,
        %get3A_156 = arith.index_cast %add3A_142 : i32 to index
        %get3A_157 = arith.constant 16 : index
        %get3A_158 = tpu.vector_load %arg10[%get3A_156, %get3A_157] {strides = array<i32>} : memref<80x128xf32, #tpu.memory_space<vmem>>, vector<1x16xf32>,
        %get3A_159 = vector.shape_cast %get3A_158 : vector<1x16xf32> to vector<16xf32>
        %mul3A_160 = arith.mulf %get3A_159, %broadcast_in_dim3A_145 : vector<16xf32>
        %swap3A_161 = arith.index_cast %add3A_142 : i32 to index
        %swap3A_162 = arith.constant 16 : index
        %swap3A_163 = tpu.vector_load %arg10[%swap3A_161, %swap3A_162] {strides = array<i32>} : memref<80x128xf32, #tpu.memory_space<vmem>>, vector<1x16xf32>,
        %swap3A_164 = vector.shape_cast %swap3A_163 : vector<1x16xf32> to vector<16xf32>
        %swap3A_165 = vector.shape_cast %mul3A_160 : vector<16xf32> to vector<1x16xf32>
        tpu.vector_store %arg10[%swap3A_161, %swap3A_162], %swap3A_165 {strides = array<i32>} : memref<80x128xf32, #tpu.memory_space<vmem>>, vector<1x16xf32>,
        %get3A_166 = arith.index_cast %add3A_142 : i32 to index
        %get3A_167 = arith.constant 32 : index
        %get3A_168 = tpu.vector_load %arg10[%get3A_166, %get3A_167] {strides = array<i32>} : memref<80x128xf32, #tpu.memory_space<vmem>>, vector<1x16xf32>,
        %get3A_169 = vector.shape_cast %get3A_168 : vector<1x16xf32> to vector<16xf32>
        %mul3A_170 = arith.mulf %get3A_169, %broadcast_in_dim3A_145 : vector<16xf32>
        %swap3A_171 = arith.index_cast %add3A_142 : i32 to index
        %swap3A_172 = arith.constant 32 : index
        %swap3A_173 = tpu.vector_load %arg10[%swap3A_171, %swap3A_172] {strides = array<i32>} : memref<80x128xf32, #tpu.memory_space<vmem>>, vector<1x16xf32>,
        %swap3A_174 = vector.shape_cast %swap3A_173 : vector<1x16xf32> to vector<16xf32>
        %swap3A_175 = vector.shape_cast %mul3A_170 : vector<16xf32> to vector<1x16xf32>
        tpu.vector_store %arg10[%swap3A_171, %swap3A_172], %swap3A_175 {strides = array<i32>} : memref<80x128xf32, #tpu.memory_space<vmem>>, vector<1x16xf32>,
        %get3A_176 = arith.index_cast %add3A_142 : i32 to index
        %get3A_177 = arith.constant 48 : index
        %get3A_178 = tpu.vector_load %arg10[%get3A_176, %get3A_177] {strides = array<i32>} : memref<80x128xf32, #tpu.memory_space<vmem>>, vector<1x16xf32>,
        %get3A_179 = vector.shape_cast %get3A_178 : vector<1x16xf32> to vector<16xf32>
        %mul3A_180 = arith.mulf %get3A_179, %broadcast_in_dim3A_145 : vector<16xf32>
        %swap3A_181 = arith.index_cast %add3A_142 : i32 to index
        %swap3A_182 = arith.constant 48 : index
        %swap3A_183 = tpu.vector_load %arg10[%swap3A_181, %swap3A_182] {strides = array<i32>} : memref<80x128xf32, #tpu.memory_space<vmem>>, vector<1x16xf32>,
        %swap3A_184 = vector.shape_cast %swap3A_183 : vector<1x16xf32> to vector<16xf32>
        %swap3A_185 = vector.shape_cast %mul3A_180 : vector<16xf32> to vector<1x16xf32>
        tpu.vector_store %arg10[%swap3A_181, %swap3A_182], %swap3A_185 {strides = array<i32>} : memref<80x128xf32, #tpu.memory_space<vmem>>, vector<1x16xf32>,
        %get3A_186 = arith.index_cast %add3A_142 : i32 to index
        %get3A_187 = arith.constant 64 : index
        %get3A_188 = tpu.vector_load %arg10[%get3A_186, %get3A_187] {strides = array<i32>} : memref<80x128xf32, #tpu.memory_space<vmem>>, vector<1x16xf32>,
        %get3A_189 = vector.shape_cast %get3A_188 : vector<1x16xf32> to vector<16xf32>
        %mul3A_190 = arith.mulf %get3A_189, %broadcast_in_dim3A_145 : vector<16xf32>
        %swap3A_191 = arith.index_cast %add3A_142 : i32 to index
        %swap3A_192 = arith.constant 64 : index
        %swap3A_193 = tpu.vector_load %arg10[%swap3A_191, %swap3A_192] {strides = array<i32>} : memref<80x128xf32, #tpu.memory_space<vmem>>, vector<1x16xf32>,
        %swap3A_194 = vector.shape_cast %swap3A_193 : vector<1x16xf32> to vector<16xf32>
        %swap3A_195 = vector.shape_cast %mul3A_190 : vector<16xf32> to vector<1x16xf32>
        tpu.vector_store %arg10[%swap3A_191, %swap3A_192], %swap3A_195 {strides = array<i32>} : memref<80x128xf32, #tpu.memory_space<vmem>>, vector<1x16xf32>,
        %get3A_196 = arith.index_cast %add3A_142 : i32 to index
        %get3A_197 = arith.constant 80 : index
        %get3A_198 = tpu.vector_load %arg10[%get3A_196, %get3A_197] {strides = array<i32>} : memref<80x128xf32, #tpu.memory_space<vmem>>, vector<1x16xf32>,
        %get3A_199 = vector.shape_cast %get3A_198 : vector<1x16xf32> to vector<16xf32>
        %mul3A_200 = arith.mulf %get3A_199, %broadcast_in_dim3A_145 : vector<16xf32>
        %swap3A_201 = arith.index_cast %add3A_142 : i32 to index
        %swap3A_202 = arith.constant 80 : index
        %swap3A_203 = tpu.vector_load %arg10[%swap3A_201, %swap3A_202] {strides = array<i32>} : memref<80x128xf32, #tpu.memory_space<vmem>>, vector<1x16xf32>,
        %swap3A_204 = vector.shape_cast %swap3A_203 : vector<1x16xf32> to vector<16xf32>
        %swap3A_205 = vector.shape_cast %mul3A_200 : vector<16xf32> to vector<1x16xf32>
        tpu.vector_store %arg10[%swap3A_201, %swap3A_202], %swap3A_205 {strides = array<i32>} : memref<80x128xf32, #tpu.memory_space<vmem>>, vector<1x16xf32>,
        %get3A_206 = arith.index_cast %add3A_142 : i32 to index
        %get3A_207 = arith.constant 96 : index
        %get3A_208 = tpu.vector_load %arg10[%get3A_206, %get3A_207] {strides = array<i32>} : memref<80x128xf32, #tpu.memory_space<vmem>>, vector<1x16xf32>,
        %get3A_209 = vector.shape_cast %get3A_208 : vector<1x16xf32> to vector<16xf32>
        %mul3A_210 = arith.mulf %get3A_209, %broadcast_in_dim3A_145 : vector<16xf32>
        %swap3A_211 = arith.index_cast %add3A_142 : i32 to index
        %swap3A_212 = arith.constant 96 : index
        %swap3A_213 = tpu.vector_load %arg10[%swap3A_211, %swap3A_212] {strides = array<i32>} : memref<80x128xf32, #tpu.memory_space<vmem>>, vector<1x16xf32>,
        %swap3A_214 = vector.shape_cast %swap3A_213 : vector<1x16xf32> to vector<16xf32>
        %swap3A_215 = vector.shape_cast %mul3A_210 : vector<16xf32> to vector<1x16xf32>
        tpu.vector_store %arg10[%swap3A_211, %swap3A_212], %swap3A_215 {strides = array<i32>} : memref<80x128xf32, #tpu.memory_space<vmem>>, vector<1x16xf32>,
        %get3A_216 = arith.index_cast %add3A_142 : i32 to index
        %get3A_217 = arith.constant 112 : index
        %get3A_218 = tpu.vector_load %arg10[%get3A_216, %get3A_217] {strides = array<i32>} : memref<80x128xf32, #tpu.memory_space<vmem>>, vector<1x16xf32>,
        %get3A_219 = vector.shape_cast %get3A_218 : vector<1x16xf32> to vector<16xf32>
        %mul3A_220 = arith.mulf %get3A_219, %broadcast_in_dim3A_145 : vector<16xf32>
        %swap3A_221 = arith.index_cast %add3A_142 : i32 to index
        %swap3A_222 = arith.constant 112 : index
        %swap3A_223 = tpu.vector_load %arg10[%swap3A_221, %swap3A_222] {strides = array<i32>} : memref<80x128xf32, #tpu.memory_space<vmem>>, vector<1x16xf32>,
        %swap3A_224 = vector.shape_cast %swap3A_223 : vector<1x16xf32> to vector<16xf32>
        %swap3A_225 = vector.shape_cast %mul3A_220 : vector<16xf32> to vector<1x16xf32>
        tpu.vector_store %arg10[%swap3A_221, %swap3A_222], %swap3A_225 {strides = array<i32>} : memref<80x128xf32, #tpu.memory_space<vmem>>, vector<1x16xf32>,
        %mul3A_226 = arith.constant 16 : i32
        %mul3A_227 = arith.muli %scan3A_50, %mul3A_226 : i32
        %add3A_228 = arith.constant 2 : i32
        %add3A_229 = arith.addi %mul3A_227, %add3A_228 : i32
        %slice3A_230 = vector.extract_strided_slice %get3A_55 {offsets = [2], sizes = [1], strides = [1]} : vector<16xf32> to vector<1xf32>
        %squeeze3A_231 = vector.extract %slice3A_230[0] : f32 from vector<1xf32>
        %broadcast_in_dim3A_232 = vector.broadcast %squeeze3A_231 : f32 to vector<16xf32>
        %get3A_233 = arith.index_cast %add3A_229 : i32 to index
        %get3A_234 = arith.constant 0 : index
        %get3A_235 = tpu.vector_load %arg10[%get3A_233, %get3A_234] {strides = array<i32>} : memref<80x128xf32, #tpu.memory_space<vmem>>, vector<1x16xf32>,
        %get3A_236 = vector.shape_cast %get3A_235 : vector<1x16xf32> to vector<16xf32>
        %mul3A_237 = arith.mulf %get3A_236, %broadcast_in_dim3A_232 : vector<16xf32>
        %swap3A_238 = arith.index_cast %add3A_229 : i32 to index
        %swap3A_239 = arith.constant 0 : index
        %swap3A_240 = tpu.vector_load %arg10[%swap3A_238, %swap3A_239] {strides = array<i32>} : memref<80x128xf32, #tpu.memory_space<vmem>>, vector<1x16xf32>,
        %swap3A_241 = vector.shape_cast %swap3A_240 : vector<1x16xf32> to vector<16xf32>
        %swap3A_242 = vector.shape_cast %mul3A_237 : vector<16xf32> to vector<1x16xf32>
        tpu.vector_store %arg10[%swap3A_238, %swap3A_239], %swap3A_242 {strides = array<i32>} : memref<80x128xf32, #tpu.memory_space<vmem>>, vector<1x16xf32>,
        %get3A_243 = arith.index_cast %add3A_229 : i32 to index
        %get3A_244 = arith.constant 16 : index
        %get3A_245 = tpu.vector_load %arg10[%get3A_243, %get3A_244] {strides = array<i32>} : memref<80x128xf32, #tpu.memory_space<vmem>>, vector<1x16xf32>,
        %get3A_246 = vector.shape_cast %get3A_245 : vector<1x16xf32> to vector<16xf32>
        %mul3A_247 = arith.mulf %get3A_246, %broadcast_in_dim3A_232 : vector<16xf32>
        %swap3A_248 = arith.index_cast %add3A_229 : i32 to index
        %swap3A_249 = arith.constant 16 : index
        %swap3A_250 = tpu.vector_load %arg10[%swap3A_248, %swap3A_249] {strides = array<i32>} : memref<80x128xf32, #tpu.memory_space<vmem>>, vector<1x16xf32>,
        %swap3A_251 = vector.shape_cast %swap3A_250 : vector<1x16xf32> to vector<16xf32>
        %swap3A_252 = vector.shape_cast %mul3A_247 : vector<16xf32> to vector<1x16xf32>
        tpu.vector_store %arg10[%swap3A_248, %swap3A_249], %swap3A_252 {strides = array<i32>} : memref<80x128xf32, #tpu.memory_space<vmem>>, vector<1x16xf32>,
        %get3A_253 = arith.index_cast %add3A_229 : i32 to index
        %get3A_254 = arith.constant 32 : index
        %get3A_255 = tpu.vector_load %arg10[%get3A_253, %get3A_254] {strides = array<i32>} : memref<80x128xf32, #tpu.memory_space<vmem>>, vector<1x16xf32>,
        %get3A_256 = vector.shape_cast %get3A_255 : vector<1x16xf32> to vector<16xf32>
        %mul3A_257 = arith.mulf %get3A_256, %broadcast_in_dim3A_232 : vector<16xf32>
        %swap3A_258 = arith.index_cast %add3A_229 : i32 to index
        %swap3A_259 = arith.constant 32 : index
        %swap3A_260 = tpu.vector_load %arg10[%swap3A_258, %swap3A_259] {strides = array<i32>} : memref<80x128xf32, #tpu.memory_space<vmem>>, vector<1x16xf32>,
        %swap3A_261 = vector.shape_cast %swap3A_260 : vector<1x16xf32> to vector<16xf32>
        %swap3A_262 = vector.shape_cast %mul3A_257 : vector<16xf32> to vector<1x16xf32>
        tpu.vector_store %arg10[%swap3A_258, %swap3A_259], %swap3A_262 {strides = array<i32>} : memref<80x128xf32, #tpu.memory_space<vmem>>, vector<1x16xf32>,
        %get3A_263 = arith.index_cast %add3A_229 : i32 to index
        %get3A_264 = arith.constant 48 : index
        %get3A_265 = tpu.vector_load %arg10[%get3A_263, %get3A_264] {strides = array<i32>} : memref<80x128xf32, #tpu.memory_space<vmem>>, vector<1x16xf32>,
        %get3A_266 = vector.shape_cast %get3A_265 : vector<1x16xf32> to vector<16xf32>
        %mul3A_267 = arith.mulf %get3A_266, %broadcast_in_dim3A_232 : vector<16xf32>
        %swap3A_268 = arith.index_cast %add3A_229 : i32 to index
        %swap3A_269 = arith.constant 48 : index
        %swap3A_270 = tpu.vector_load %arg10[%swap3A_268, %swap3A_269] {strides = array<i32>} : memref<80x128xf32, #tpu.memory_space<vmem>>, vector<1x16xf32>,
        %swap3A_271 = vector.shape_cast %swap3A_270 : vector<1x16xf32> to vector<16xf32>
        %swap3A_272 = vector.shape_cast %mul3A_267 : vector<16xf32> to vector<1x16xf32>
        tpu.vector_store %arg10[%swap3A_268, %swap3A_269], %swap3A_272 {strides = array<i32>} : memref<80x128xf32, #tpu.memory_space<vmem>>, vector<1x16xf32>,
        %get3A_273 = arith.index_cast %add3A_229 : i32 to index
        %get3A_274 = arith.constant 64 : index
        %get3A_275 = tpu.vector_load %arg10[%get3A_273, %get3A_274] {strides = array<i32>} : memref<80x128xf32, #tpu.memory_space<vmem>>, vector<1x16xf32>,
        %get3A_276 = vector.shape_cast %get3A_275 : vector<1x16xf32> to vector<16xf32>
        %mul3A_277 = arith.mulf %get3A_276, %broadcast_in_dim3A_232 : vector<16xf32>
        %swap3A_278 = arith.index_cast %add3A_229 : i32 to index
        %swap3A_279 = arith.constant 64 : index
        %swap3A_280 = tpu.vector_load %arg10[%swap3A_278, %swap3A_279] {strides = array<i32>} : memref<80x128xf32, #tpu.memory_space<vmem>>, vector<1x16xf32>,
        %swap3A_281 = vector.shape_cast %swap3A_280 : vector<1x16xf32> to vector<16xf32>
        %swap3A_282 = vector.shape_cast %mul3A_277 : vector<16xf32> to vector<1x16xf32>
        tpu.vector_store %arg10[%swap3A_278, %swap3A_279], %swap3A_282 {strides = array<i32>} : memref<80x128xf32, #tpu.memory_space<vmem>>, vector<1x16xf32>,
        %get3A_283 = arith.index_cast %add3A_229 : i32 to index
        %get3A_284 = arith.constant 80 : index
        %get3A_285 = tpu.vector_load %arg10[%get3A_283, %get3A_284] {strides = array<i32>} : memref<80x128xf32, #tpu.memory_space<vmem>>, vector<1x16xf32>,
        %get3A_286 = vector.shape_cast %get3A_285 : vector<1x16xf32> to vector<16xf32>
        %mul3A_287 = arith.mulf %get3A_286, %broadcast_in_dim3A_232 : vector<16xf32>
        %swap3A_288 = arith.index_cast %add3A_229 : i32 to index
        %swap3A_289 = arith.constant 80 : index
        %swap3A_290 = tpu.vector_load %arg10[%swap3A_288, %swap3A_289] {strides = array<i32>} : memref<80x128xf32, #tpu.memory_space<vmem>>, vector<1x16xf32>,
        %swap3A_291 = vector.shape_cast %swap3A_290 : vector<1x16xf32> to vector<16xf32>
        %swap3A_292 = vector.shape_cast %mul3A_287 : vector<16xf32> to vector<1x16xf32>
        tpu.vector_store %arg10[%swap3A_288, %swap3A_289], %swap3A_292 {strides = array<i32>} : memref<80x128xf32, #tpu.memory_space<vmem>>, vector<1x16xf32>,
        %get3A_293 = arith.index_cast %add3A_229 : i32 to index
        %get3A_294 = arith.constant 96 : index
        %get3A_295 = tpu.vector_load %arg10[%get3A_293, %get3A_294] {strides = array<i32>} : memref<80x128xf32, #tpu.memory_space<vmem>>, vector<1x16xf32>,
        %get3A_296 = vector.shape_cast %get3A_295 : vector<1x16xf32> to vector<16xf32>
        %mul3A_297 = arith.mulf %get3A_296, %broadcast_in_dim3A_232 : vector<16xf32>
        %swap3A_298 = arith.index_cast %add3A_229 : i32 to index
        %swap3A_299 = arith.constant 96 : index
        %swap3A_300 = tpu.vector_load %arg10[%swap3A_298, %swap3A_299] {strides = array<i32>} : memref<80x128xf32, #tpu.memory_space<vmem>>, vector<1x16xf32>,
        %swap3A_301 = vector.shape_cast %swap3A_300 : vector<1x16xf32> to vector<16xf32>
        %swap3A_302 = vector.shape_cast %mul3A_297 : vector<16xf32> to vector<1x16xf32>
        tpu.vector_store %arg10[%swap3A_298, %swap3A_299], %swap3A_302 {strides = array<i32>} : memref<80x128xf32, #tpu.memory_space<vmem>>, vector<1x16xf32>,
        %get3A_303 = arith.index_cast %add3A_229 : i32 to index
        %get3A_304 = arith.constant 112 : index
        %get3A_305 = tpu.vector_load %arg10[%get3A_303, %get3A_304] {strides = array<i32>} : memref<80x128xf32, #tpu.memory_space<vmem>>, vector<1x16xf32>,
        %get3A_306 = vector.shape_cast %get3A_305 : vector<1x16xf32> to vector<16xf32>
        %mul3A_307 = arith.mulf %get3A_306, %broadcast_in_dim3A_232 : vector<16xf32>
        %swap3A_308 = arith.index_cast %add3A_229 : i32 to index
        %swap3A_309 = arith.constant 112 : index
        %swap3A_310 = tpu.vector_load %arg10[%swap3A_308, %swap3A_309] {strides = array<i32>} : memref<80x128xf32, #tpu.memory_space<vmem>>, vector<1x16xf32>,
        %swap3A_311 = vector.shape_cast %swap3A_310 : vector<1x16xf32> to vector<16xf32>
        %swap3A_312 = vector.shape_cast %mul3A_307 : vector<16xf32> to vector<1x16xf32>
        tpu.vector_store %arg10[%swap3A_308, %swap3A_309], %swap3A_312 {strides = array<i32>} : memref<80x128xf32, #tpu.memory_space<vmem>>, vector<1x16xf32>,
        %mul3A_313 = arith.constant 16 : i32
        %mul3A_314 = arith.muli %scan3A_50, %mul3A_313 : i32
        %add3A_315 = arith.constant 3 : i32
        %add3A_316 = arith.addi %mul3A_314, %add3A_315 : i32
        %slice3A_317 = vector.extract_strided_slice %get3A_55 {offsets = [3], sizes = [1], strides = [1]} : vector<16xf32> to vector<1xf32>
        %squeeze3A_318 = vector.extract %slice3A_317[0] : f32 from vector<1xf32>
        %broadcast_in_dim3A_319 = vector.broadcast %squeeze3A_318 : f32 to vector<16xf32>
        %get3A_320 = arith.index_cast %add3A_316 : i32 to index
        %get3A_321 = arith.constant 0 : index
        %get3A_322 = tpu.vector_load %arg10[%get3A_320, %get3A_321] {strides = array<i32>} : memref<80x128xf32, #tpu.memory_space<vmem>>, vector<1x16xf32>,
        %get3A_323 = vector.shape_cast %get3A_322 : vector<1x16xf32> to vector<16xf32>
        %mul3A_324 = arith.mulf %get3A_323, %broadcast_in_dim3A_319 : vector<16xf32>
        %swap3A_325 = arith.index_cast %add3A_316 : i32 to index
        %swap3A_326 = arith.constant 0 : index
        %swap3A_327 = tpu.vector_load %arg10[%swap3A_325, %swap3A_326] {strides = array<i32>} : memref<80x128xf32, #tpu.memory_space<vmem>>, vector<1x16xf32>,
        %swap3A_328 = vector.shape_cast %swap3A_327 : vector<1x16xf32> to vector<16xf32>
        %swap3A_329 = vector.shape_cast %mul3A_324 : vector<16xf32> to vector<1x16xf32>
        tpu.vector_store %arg10[%swap3A_325, %swap3A_326], %swap3A_329 {strides = array<i32>} : memref<80x128xf32, #tpu.memory_space<vmem>>, vector<1x16xf32>,
        %get3A_330 = arith.index_cast %add3A_316 : i32 to index
        %get3A_331 = arith.constant 16 : index
        %get3A_332 = tpu.vector_load %arg10[%get3A_330, %get3A_331] {strides = array<i32>} : memref<80x128xf32, #tpu.memory_space<vmem>>, vector<1x16xf32>,
        %get3A_333 = vector.shape_cast %get3A_332 : vector<1x16xf32> to vector<16xf32>
        %mul3A_334 = arith.mulf %get3A_333, %broadcast_in_dim3A_319 : vector<16xf32>
        %swap3A_335 = arith.index_cast %add3A_316 : i32 to index
        %swap3A_336 = arith.constant 16 : index
        %swap3A_337 = tpu.vector_load %arg10[%swap3A_335, %swap3A_336] {strides = array<i32>} : memref<80x128xf32, #tpu.memory_space<vmem>>, vector<1x16xf32>,
        %swap3A_338 = vector.shape_cast %swap3A_337 : vector<1x16xf32> to vector<16xf32>
        %swap3A_339 = vector.shape_cast %mul3A_334 : vector<16xf32> to vector<1x16xf32>
        tpu.vector_store %arg10[%swap3A_335, %swap3A_336], %swap3A_339 {strides = array<i32>} : memref<80x128xf32, #tpu.memory_space<vmem>>, vector<1x16xf32>,
        %get3A_340 = arith.index_cast %add3A_316 : i32 to index
        %get3A_341 = arith.constant 32 : index
        %get3A_342 = tpu.vector_load %arg10[%get3A_340, %get3A_341] {strides = array<i32>} : memref<80x128xf32, #tpu.memory_space<vmem>>, vector<1x16xf32>,
        %get3A_343 = vector.shape_cast %get3A_342 : vector<1x16xf32> to vector<16xf32>
        %mul3A_344 = arith.mulf %get3A_343, %broadcast_in_dim3A_319 : vector<16xf32>
        %swap3A_345 = arith.index_cast %add3A_316 : i32 to index
        %swap3A_346 = arith.constant 32 : index
        %swap3A_347 = tpu.vector_load %arg10[%swap3A_345, %swap3A_346] {strides = array<i32>} : memref<80x128xf32, #tpu.memory_space<vmem>>, vector<1x16xf32>,
        %swap3A_348 = vector.shape_cast %swap3A_347 : vector<1x16xf32> to vector<16xf32>
        %swap3A_349 = vector.shape_cast %mul3A_344 : vector<16xf32> to vector<1x16xf32>
        tpu.vector_store %arg10[%swap3A_345, %swap3A_346], %swap3A_349 {strides = array<i32>} : memref<80x128xf32, #tpu.memory_space<vmem>>, vector<1x16xf32>,
        %get3A_350 = arith.index_cast %add3A_316 : i32 to index
        %get3A_351 = arith.constant 48 : index
        %get3A_352 = tpu.vector_load %arg10[%get3A_350, %get3A_351] {strides = array<i32>} : memref<80x128xf32, #tpu.memory_space<vmem>>, vector<1x16xf32>,
        %get3A_353 = vector.shape_cast %get3A_352 : vector<1x16xf32> to vector<16xf32>
        %mul3A_354 = arith.mulf %get3A_353, %broadcast_in_dim3A_319 : vector<16xf32>
        %swap3A_355 = arith.index_cast %add3A_316 : i32 to index
        %swap3A_356 = arith.constant 48 : index
        %swap3A_357 = tpu.vector_load %arg10[%swap3A_355, %swap3A_356] {strides = array<i32>} : memref<80x128xf32, #tpu.memory_space<vmem>>, vector<1x16xf32>,
        %swap3A_358 = vector.shape_cast %swap3A_357 : vector<1x16xf32> to vector<16xf32>
        %swap3A_359 = vector.shape_cast %mul3A_354 : vector<16xf32> to vector<1x16xf32>
        tpu.vector_store %arg10[%swap3A_355, %swap3A_356], %swap3A_359 {strides = array<i32>} : memref<80x128xf32, #tpu.memory_space<vmem>>, vector<1x16xf32>,
        %get3A_360 = arith.index_cast %add3A_316 : i32 to index
        %get3A_361 = arith.constant 64 : index
        %get3A_362 = tpu.vector_load %arg10[%get3A_360, %get3A_361] {strides = array<i32>} : memref<80x128xf32, #tpu.memory_space<vmem>>, vector<1x16xf32>,
        %get3A_363 = vector.shape_cast %get3A_362 : vector<1x16xf32> to vector<16xf32>
        %mul3A_364 = arith.mulf %get3A_363, %broadcast_in_dim3A_319 : vector<16xf32>
        %swap3A_365 = arith.index_cast %add3A_316 : i32 to index
        %swap3A_366 = arith.constant 64 : index
        %swap3A_367 = tpu.vector_load %arg10[%swap3A_365, %swap3A_366] {strides = array<i32>} : memref<80x128xf32, #tpu.memory_space<vmem>>, vector<1x16xf32>,
        %swap3A_368 = vector.shape_cast %swap3A_367 : vector<1x16xf32> to vector<16xf32>
        %swap3A_369 = vector.shape_cast %mul3A_364 : vector<16xf32> to vector<1x16xf32>
        tpu.vector_store %arg10[%swap3A_365, %swap3A_366], %swap3A_369 {strides = array<i32>} : memref<80x128xf32, #tpu.memory_space<vmem>>, vector<1x16xf32>,
        %get3A_370 = arith.index_cast %add3A_316 : i32 to index
        %get3A_371 = arith.constant 80 : index
        %get3A_372 = tpu.vector_load %arg10[%get3A_370, %get3A_371] {strides = array<i32>} : memref<80x128xf32, #tpu.memory_space<vmem>>, vector<1x16xf32>,
        %get3A_373 = vector.shape_cast %get3A_372 : vector<1x16xf32> to vector<16xf32>
        %mul3A_374 = arith.mulf %get3A_373, %broadcast_in_dim3A_319 : vector<16xf32>
        %swap3A_375 = arith.index_cast %add3A_316 : i32 to index
        %swap3A_376 = arith.constant 80 : index
        %swap3A_377 = tpu.vector_load %arg10[%swap3A_375, %swap3A_376] {strides = array<i32>} : memref<80x128xf32, #tpu.memory_space<vmem>>, vector<1x16xf32>,
        %swap3A_378 = vector.shape_cast %swap3A_377 : vector<1x16xf32> to vector<16xf32>
        %swap3A_379 = vector.shape_cast %mul3A_374 : vector<16xf32> to vector<1x16xf32>
        tpu.vector_store %arg10[%swap3A_375, %swap3A_376], %swap3A_379 {strides = array<i32>} : memref<80x128xf32, #tpu.memory_space<vmem>>, vector<1x16xf32>,
        %get3A_380 = arith.index_cast %add3A_316 : i32 to index
        %get3A_381 = arith.constant 96 : index
        %get3A_382 = tpu.vector_load %arg10[%get3A_380, %get3A_381] {strides = array<i32>} : memref<80x128xf32, #tpu.memory_space<vmem>>, vector<1x16xf32>,
        %get3A_383 = vector.shape_cast %get3A_382 : vector<1x16xf32> to vector<16xf32>
        %mul3A_384 = arith.mulf %get3A_383, %broadcast_in_dim3A_319 : vector<16xf32>
        %swap3A_385 = arith.index_cast %add3A_316 : i32 to index
        %swap3A_386 = arith.constant 96 : index
        %swap3A_387 = tpu.vector_load %arg10[%swap3A_385, %swap3A_386] {strides = array<i32>} : memref<80x128xf32, #tpu.memory_space<vmem>>, vector<1x16xf32>,
        %swap3A_388 = vector.shape_cast %swap3A_387 : vector<1x16xf32> to vector<16xf32>
        %swap3A_389 = vector.shape_cast %mul3A_384 : vector<16xf32> to vector<1x16xf32>
        tpu.vector_store %arg10[%swap3A_385, %swap3A_386], %swap3A_389 {strides = array<i32>} : memref<80x128xf32, #tpu.memory_space<vmem>>, vector<1x16xf32>,
        %get3A_390 = arith.index_cast %add3A_316 : i32 to index
        %get3A_391 = arith.constant 112 : index
        %get3A_392 = tpu.vector_load %arg10[%get3A_390, %get3A_391] {strides = array<i32>} : memref<80x128xf32, #tpu.memory_space<vmem>>, vector<1x16xf32>,
        %get3A_393 = vector.shape_cast %get3A_392 : vector<1x16xf32> to vector<16xf32>
        %mul3A_394 = arith.mulf %get3A_393, %broadcast_in_dim3A_319 : vector<16xf32>
        %swap3A_395 = arith.index_cast %add3A_316 : i32 to index
        %swap3A_396 = arith.constant 112 : index
        %swap3A_397 = tpu.vector_load %arg10[%swap3A_395, %swap3A_396] {strides = array<i32>} : memref<80x128xf32, #tpu.memory_space<vmem>>, vector<1x16xf32>,
        %swap3A_398 = vector.shape_cast %swap3A_397 : vector<1x16xf32> to vector<16xf32>
        %swap3A_399 = vector.shape_cast %mul3A_394 : vector<16xf32> to vector<1x16xf32>
        tpu.vector_store %arg10[%swap3A_395, %swap3A_396], %swap3A_399 {strides = array<i32>} : memref<80x128xf32, #tpu.memory_space<vmem>>, vector<1x16xf32>,
        %mul3A_400 = arith.constant 16 : i32
        %mul3A_401 = arith.muli %scan3A_50, %mul3A_400 : i32
        %add3A_402 = arith.constant 4 : i32
        %add3A_403 = arith.addi %mul3A_401, %add3A_402 : i32
        %slice3A_404 = vector.extract_strided_slice %get3A_55 {offsets = [4], sizes = [1], strides = [1]} : vector<16xf32> to vector<1xf32>
        %squeeze3A_405 = vector.extract %slice3A_404[0] : f32 from vector<1xf32>
        %broadcast_in_dim3A_406 = vector.broadcast %squeeze3A_405 : f32 to vector<16xf32>
        %get3A_407 = arith.index_cast %add3A_403 : i32 to index
        %get3A_408 = arith.constant 0 : index
        %get3A_409 = tpu.vector_load %arg10[%get3A_407, %get3A_408] {strides = array<i32>} : memref<80x128xf32, #tpu.memory_space<vmem>>, vector<1x16xf32>,
        %get3A_410 = vector.shape_cast %get3A_409 : vector<1x16xf32> to vector<16xf32>
        %mul3A_411 = arith.mulf %get3A_410, %broadcast_in_dim3A_406 : vector<16xf32>
        %swap3A_412 = arith.index_cast %add3A_403 : i32 to index
        %swap3A_413 = arith.constant 0 : index
        %swap3A_414 = tpu.vector_load %arg10[%swap3A_412, %swap3A_413] {strides = array<i32>} : memref<80x128xf32, #tpu.memory_space<vmem>>, vector<1x16xf32>,
        %swap3A_415 = vector.shape_cast %swap3A_414 : vector<1x16xf32> to vector<16xf32>
        %swap3A_416 = vector.shape_cast %mul3A_411 : vector<16xf32> to vector<1x16xf32>
        tpu.vector_store %arg10[%swap3A_412, %swap3A_413], %swap3A_416 {strides = array<i32>} : memref<80x128xf32, #tpu.memory_space<vmem>>, vector<1x16xf32>,
        %get3A_417 = arith.index_cast %add3A_403 : i32 to index
        %get3A_418 = arith.constant 16 : index
        %get3A_419 = tpu.vector_load %arg10[%get3A_417, %get3A_418] {strides = array<i32>} : memref<80x128xf32, #tpu.memory_space<vmem>>, vector<1x16xf32>,
        %get3A_420 = vector.shape_cast %get3A_419 : vector<1x16xf32> to vector<16xf32>
        %mul3A_421 = arith.mulf %get3A_420, %broadcast_in_dim3A_406 : vector<16xf32>
        %swap3A_422 = arith.index_cast %add3A_403 : i32 to index
        %swap3A_423 = arith.constant 16 : index
        %swap3A_424 = tpu.vector_load %arg10[%swap3A_422, %swap3A_423] {strides = array<i32>} : memref<80x128xf32, #tpu.memory_space<vmem>>, vector<1x16xf32>,
        %swap3A_425 = vector.shape_cast %swap3A_424 : vector<1x16xf32> to vector<16xf32>
        %swap3A_426 = vector.shape_cast %mul3A_421 : vector<16xf32> to vector<1x16xf32>
        tpu.vector_store %arg10[%swap3A_422, %swap3A_423], %swap3A_426 {strides = array<i32>} : memref<80x128xf32, #tpu.memory_space<vmem>>, vector<1x16xf32>,
        %get3A_427 = arith.index_cast %add3A_403 : i32 to index
        %get3A_428 = arith.constant 32 : index
        %get3A_429 = tpu.vector_load %arg10[%get3A_427, %get3A_428] {strides = array<i32>} : memref<80x128xf32, #tpu.memory_space<vmem>>, vector<1x16xf32>,
        %get3A_430 = vector.shape_cast %get3A_429 : vector<1x16xf32> to vector<16xf32>
        %mul3A_431 = arith.mulf %get3A_430, %broadcast_in_dim3A_406 : vector<16xf32>
        %swap3A_432 = arith.index_cast %add3A_403 : i32 to index
        %swap3A_433 = arith.constant 32 : index
        %swap3A_434 = tpu.vector_load %arg10[%swap3A_432, %swap3A_433] {strides = array<i32>} : memref<80x128xf32, #tpu.memory_space<vmem>>, vector<1x16xf32>,
        %swap3A_435 = vector.shape_cast %swap3A_434 : vector<1x16xf32> to vector<16xf32>
        %swap3A_436 = vector.shape_cast %mul3A_431 : vector<16xf32> to vector<1x16xf32>
        tpu.vector_store %arg10[%swap3A_432, %swap3A_433], %swap3A_436 {strides = array<i32>} : memref<80x128xf32, #tpu.memory_space<vmem>>, vector<1x16xf32>,
        %get3A_437 = arith.index_cast %add3A_403 : i32 to index
        %get3A_438 = arith.constant 48 : index
        %get3A_439 = tpu.vector_load %arg10[%get3A_437, %get3A_438] {strides = array<i32>} : memref<80x128xf32, #tpu.memory_space<vmem>>, vector<1x16xf32>,
        %get3A_440 = vector.shape_cast %get3A_439 : vector<1x16xf32> to vector<16xf32>
        %mul3A_441 = arith.mulf %get3A_440, %broadcast_in_dim3A_406 : vector<16xf32>
        %swap3A_442 = arith.index_cast %add3A_403 : i32 to index
        %swap3A_443 = arith.constant 48 : index
        %swap3A_444 = tpu.vector_load %arg10[%swap3A_442, %swap3A_443] {strides = array<i32>} : memref<80x128xf32, #tpu.memory_space<vmem>>, vector<1x16xf32>,
        %swap3A_445 = vector.shape_cast %swap3A_444 : vector<1x16xf32> to vector<16xf32>
        %swap3A_446 = vector.shape_cast %mul3A_441 : vector<16xf32> to vector<1x16xf32>
        tpu.vector_store %arg10[%swap3A_442, %swap3A_443], %swap3A_446 {strides = array<i32>} : memref<80x128xf32, #tpu.memory_space<vmem>>, vector<1x16xf32>,
        %get3A_447 = arith.index_cast %add3A_403 : i32 to index
        %get3A_448 = arith.constant 64 : index
        %get3A_449 = tpu.vector_load %arg10[%get3A_447, %get3A_448] {strides = array<i32>} : memref<80x128xf32, #tpu.memory_space<vmem>>, vector<1x16xf32>,
        %get3A_450 = vector.shape_cast %get3A_449 : vector<1x16xf32> to vector<16xf32>
        %mul3A_451 = arith.mulf %get3A_450, %broadcast_in_dim3A_406 : vector<16xf32>
        %swap3A_452 = arith.index_cast %add3A_403 : i32 to index
        %swap3A_453 = arith.constant 64 : index
        %swap3A_454 = tpu.vector_load %arg10[%swap3A_452, %swap3A_453] {strides = array<i32>} : memref<80x128xf32, #tpu.memory_space<vmem>>, vector<1x16xf32>,
        %swap3A_455 = vector.shape_cast %swap3A_454 : vector<1x16xf32> to vector<16xf32>
        %swap3A_456 = vector.shape_cast %mul3A_451 : vector<16xf32> to vector<1x16xf32>
        tpu.vector_store %arg10[%swap3A_452, %swap3A_453], %swap3A_456 {strides = array<i32>} : memref<80x128xf32, #tpu.memory_space<vmem>>, vector<1x16xf32>,
        %get3A_457 = arith.index_cast %add3A_403 : i32 to index
        %get3A_458 = arith.constant 80 : index
        %get3A_459 = tpu.vector_load %arg10[%get3A_457, %get3A_458] {strides = array<i32>} : memref<80x128xf32, #tpu.memory_space<vmem>>, vector<1x16xf32>,
        %get3A_460 = vector.shape_cast %get3A_459 : vector<1x16xf32> to vector<16xf32>
        %mul3A_461 = arith.mulf %get3A_460, %broadcast_in_dim3A_406 : vector<16xf32>
        %swap3A_462 = arith.index_cast %add3A_403 : i32 to index
        %swap3A_463 = arith.constant 80 : index
        %swap3A_464 = tpu.vector_load %arg10[%swap3A_462, %swap3A_463] {strides = array<i32>} : memref<80x128xf32, #tpu.memory_space<vmem>>, vector<1x16xf32>,
        %swap3A_465 = vector.shape_cast %swap3A_464 : vector<1x16xf32> to vector<16xf32>
        %swap3A_466 = vector.shape_cast %mul3A_461 : vector<16xf32> to vector<1x16xf32>
        tpu.vector_store %arg10[%swap3A_462, %swap3A_463], %swap3A_466 {strides = array<i32>} : memref<80x128xf32, #tpu.memory_space<vmem>>, vector<1x16xf32>,
        %get3A_467 = arith.index_cast %add3A_403 : i32 to index
        %get3A_468 = arith.constant 96 : index
        %get3A_469 = tpu.vector_load %arg10[%get3A_467, %get3A_468] {strides = array<i32>} : memref<80x128xf32, #tpu.memory_space<vmem>>, vector<1x16xf32>,
        %get3A_470 = vector.shape_cast %get3A_469 : vector<1x16xf32> to vector<16xf32>
        %mul3A_471 = arith.mulf %get3A_470, %broadcast_in_dim3A_406 : vector<16xf32>
        %swap3A_472 = arith.index_cast %add3A_403 : i32 to index
        %swap3A_473 = arith.constant 96 : index
        %swap3A_474 = tpu.vector_load %arg10[%swap3A_472, %swap3A_473] {strides = array<i32>} : memref<80x128xf32, #tpu.memory_space<vmem>>, vector<1x16xf32>,
        %swap3A_475 = vector.shape_cast %swap3A_474 : vector<1x16xf32> to vector<16xf32>
        %swap3A_476 = vector.shape_cast %mul3A_471 : vector<16xf32> to vector<1x16xf32>
        tpu.vector_store %arg10[%swap3A_472, %swap3A_473], %swap3A_476 {strides = array<i32>} : memref<80x128xf32, #tpu.memory_space<vmem>>, vector<1x16xf32>,
        %get3A_477 = arith.index_cast %add3A_403 : i32 to index
        %get3A_478 = arith.constant 112 : index
        %get3A_479 = tpu.vector_load %arg10[%get3A_477, %get3A_478] {strides = array<i32>} : memref<80x128xf32, #tpu.memory_space<vmem>>, vector<1x16xf32>,
        %get3A_480 = vector.shape_cast %get3A_479 : vector<1x16xf32> to vector<16xf32>
        %mul3A_481 = arith.mulf %get3A_480, %broadcast_in_dim3A_406 : vector<16xf32>
        %swap3A_482 = arith.index_cast %add3A_403 : i32 to index
        %swap3A_483 = arith.constant 112 : index
        %swap3A_484 = tpu.vector_load %arg10[%swap3A_482, %swap3A_483] {strides = array<i32>} : memref<80x128xf32, #tpu.memory_space<vmem>>, vector<1x16xf32>,
        %swap3A_485 = vector.shape_cast %swap3A_484 : vector<1x16xf32> to vector<16xf32>
        %swap3A_486 = vector.shape_cast %mul3A_481 : vector<16xf32> to vector<1x16xf32>
        tpu.vector_store %arg10[%swap3A_482, %swap3A_483], %swap3A_486 {strides = array<i32>} : memref<80x128xf32, #tpu.memory_space<vmem>>, vector<1x16xf32>,
        %mul3A_487 = arith.constant 16 : i32
        %mul3A_488 = arith.muli %scan3A_50, %mul3A_487 : i32
        %add3A_489 = arith.constant 5 : i32
        %add3A_490 = arith.addi %mul3A_488, %add3A_489 : i32
        %slice3A_491 = vector.extract_strided_slice %get3A_55 {offsets = [5], sizes = [1], strides = [1]} : vector<16xf32> to vector<1xf32>
        %squeeze3A_492 = vector.extract %slice3A_491[0] : f32 from vector<1xf32>
        %broadcast_in_dim3A_493 = vector.broadcast %squeeze3A_492 : f32 to vector<16xf32>
        %get3A_494 = arith.index_cast %add3A_490 : i32 to index
        %get3A_495 = arith.constant 0 : index
        %get3A_496 = tpu.vector_load %arg10[%get3A_494, %get3A_495] {strides = array<i32>} : memref<80x128xf32, #tpu.memory_space<vmem>>, vector<1x16xf32>,
        %get3A_497 = vector.shape_cast %get3A_496 : vector<1x16xf32> to vector<16xf32>
        %mul3A_498 = arith.mulf %get3A_497, %broadcast_in_dim3A_493 : vector<16xf32>
        %swap3A_499 = arith.index_cast %add3A_490 : i32 to index
        %swap3A_500 = arith.constant 0 : index
        %swap3A_501 = tpu.vector_load %arg10[%swap3A_499, %swap3A_500] {strides = array<i32>} : memref<80x128xf32, #tpu.memory_space<vmem>>, vector<1x16xf32>,
        %swap3A_502 = vector.shape_cast %swap3A_501 : vector<1x16xf32> to vector<16xf32>
        %swap3A_503 = vector.shape_cast %mul3A_498 : vector<16xf32> to vector<1x16xf32>
        tpu.vector_store %arg10[%swap3A_499, %swap3A_500], %swap3A_503 {strides = array<i32>} : memref<80x128xf32, #tpu.memory_space<vmem>>, vector<1x16xf32>,
        %get3A_504 = arith.index_cast %add3A_490 : i32 to index
        %get3A_505 = arith.constant 16 : index
        %get3A_506 = tpu.vector_load %arg10[%get3A_504, %get3A_505] {strides = array<i32>} : memref<80x128xf32, #tpu.memory_space<vmem>>, vector<1x16xf32>,
        %get3A_507 = vector.shape_cast %get3A_506 : vector<1x16xf32> to vector<16xf32>
        %mul3A_508 = arith.mulf %get3A_507, %broadcast_in_dim3A_493 : vector<16xf32>
        %swap3A_509 = arith.index_cast %add3A_490 : i32 to index
        %swap3A_510 = arith.constant 16 : index
        %swap3A_511 = tpu.vector_load %arg10[%swap3A_509, %swap3A_510] {strides = array<i32>} : memref<80x128xf32, #tpu.memory_space<vmem>>, vector<1x16xf32>,
        %swap3A_512 = vector.shape_cast %swap3A_511 : vector<1x16xf32> to vector<16xf32>
        %swap3A_513 = vector.shape_cast %mul3A_508 : vector<16xf32> to vector<1x16xf32>
        tpu.vector_store %arg10[%swap3A_509, %swap3A_510], %swap3A_513 {strides = array<i32>} : memref<80x128xf32, #tpu.memory_space<vmem>>, vector<1x16xf32>,
        %get3A_514 = arith.index_cast %add3A_490 : i32 to index
        %get3A_515 = arith.constant 32 : index
        %get3A_516 = tpu.vector_load %arg10[%get3A_514, %get3A_515] {strides = array<i32>} : memref<80x128xf32, #tpu.memory_space<vmem>>, vector<1x16xf32>,
        %get3A_517 = vector.shape_cast %get3A_516 : vector<1x16xf32> to vector<16xf32>
        %mul3A_518 = arith.mulf %get3A_517, %broadcast_in_dim3A_493 : vector<16xf32>
        %swap3A_519 = arith.index_cast %add3A_490 : i32 to index
        %swap3A_520 = arith.constant 32 : index
        %swap3A_521 = tpu.vector_load %arg10[%swap3A_519, %swap3A_520] {strides = array<i32>} : memref<80x128xf32, #tpu.memory_space<vmem>>, vector<1x16xf32>,
        %swap3A_522 = vector.shape_cast %swap3A_521 : vector<1x16xf32> to vector<16xf32>
        %swap3A_523 = vector.shape_cast %mul3A_518 : vector<16xf32> to vector<1x16xf32>
        tpu.vector_store %arg10[%swap3A_519, %swap3A_520], %swap3A_523 {strides = array<i32>} : memref<80x128xf32, #tpu.memory_space<vmem>>, vector<1x16xf32>,
        %get3A_524 = arith.index_cast %add3A_490 : i32 to index
        %get3A_525 = arith.constant 48 : index
        %get3A_526 = tpu.vector_load %arg10[%get3A_524, %get3A_525] {strides = array<i32>} : memref<80x128xf32, #tpu.memory_space<vmem>>, vector<1x16xf32>,
        %get3A_527 = vector.shape_cast %get3A_526 : vector<1x16xf32> to vector<16xf32>
        %mul3A_528 = arith.mulf %get3A_527, %broadcast_in_dim3A_493 : vector<16xf32>
        %swap3A_529 = arith.index_cast %add3A_490 : i32 to index
        %swap3A_530 = arith.constant 48 : index
        %swap3A_531 = tpu.vector_load %arg10[%swap3A_529, %swap3A_530] {strides = array<i32>} : memref<80x128xf32, #tpu.memory_space<vmem>>, vector<1x16xf32>,
        %swap3A_532 = vector.shape_cast %swap3A_531 : vector<1x16xf32> to vector<16xf32>
        %swap3A_533 = vector.shape_cast %mul3A_528 : vector<16xf32> to vector<1x16xf32>
        tpu.vector_store %arg10[%swap3A_529, %swap3A_530], %swap3A_533 {strides = array<i32>} : memref<80x128xf32, #tpu.memory_space<vmem>>, vector<1x16xf32>,
        %get3A_534 = arith.index_cast %add3A_490 : i32 to index
        %get3A_535 = arith.constant 64 : index
        %get3A_536 = tpu.vector_load %arg10[%get3A_534, %get3A_535] {strides = array<i32>} : memref<80x128xf32, #tpu.memory_space<vmem>>, vector<1x16xf32>,
        %get3A_537 = vector.shape_cast %get3A_536 : vector<1x16xf32> to vector<16xf32>
        %mul3A_538 = arith.mulf %get3A_537, %broadcast_in_dim3A_493 : vector<16xf32>
        %swap3A_539 = arith.index_cast %add3A_490 : i32 to index
        %swap3A_540 = arith.constant 64 : index
        %swap3A_541 = tpu.vector_load %arg10[%swap3A_539, %swap3A_540] {strides = array<i32>} : memref<80x128xf32, #tpu.memory_space<vmem>>, vector<1x16xf32>,
        %swap3A_542 = vector.shape_cast %swap3A_541 : vector<1x16xf32> to vector<16xf32>
        %swap3A_543 = vector.shape_cast %mul3A_538 : vector<16xf32> to vector<1x16xf32>
        tpu.vector_store %arg10[%swap3A_539, %swap3A_540], %swap3A_543 {strides = array<i32>} : memref<80x128xf32, #tpu.memory_space<vmem>>, vector<1x16xf32>,
        %get3A_544 = arith.index_cast %add3A_490 : i32 to index
        %get3A_545 = arith.constant 80 : index
        %get3A_546 = tpu.vector_load %arg10[%get3A_544, %get3A_545] {strides = array<i32>} : memref<80x128xf32, #tpu.memory_space<vmem>>, vector<1x16xf32>,
        %get3A_547 = vector.shape_cast %get3A_546 : vector<1x16xf32> to vector<16xf32>
        %mul3A_548 = arith.mulf %get3A_547, %broadcast_in_dim3A_493 : vector<16xf32>
        %swap3A_549 = arith.index_cast %add3A_490 : i32 to index
        %swap3A_550 = arith.constant 80 : index
        %swap3A_551 = tpu.vector_load %arg10[%swap3A_549, %swap3A_550] {strides = array<i32>} : memref<80x128xf32, #tpu.memory_space<vmem>>, vector<1x16xf32>,
        %swap3A_552 = vector.shape_cast %swap3A_551 : vector<1x16xf32> to vector<16xf32>
        %swap3A_553 = vector.shape_cast %mul3A_548 : vector<16xf32> to vector<1x16xf32>
        tpu.vector_store %arg10[%swap3A_549, %swap3A_550], %swap3A_553 {strides = array<i32>} : memref<80x128xf32, #tpu.memory_space<vmem>>, vector<1x16xf32>,
        %get3A_554 = arith.index_cast %add3A_490 : i32 to index
        %get3A_555 = arith.constant 96 : index
        %get3A_556 = tpu.vector_load %arg10[%get3A_554, %get3A_555] {strides = array<i32>} : memref<80x128xf32, #tpu.memory_space<vmem>>, vector<1x16xf32>,
        %get3A_557 = vector.shape_cast %get3A_556 : vector<1x16xf32> to vector<16xf32>
        %mul3A_558 = arith.mulf %get3A_557, %broadcast_in_dim3A_493 : vector<16xf32>
        %swap3A_559 = arith.index_cast %add3A_490 : i32 to index
        %swap3A_560 = arith.constant 96 : index
        %swap3A_561 = tpu.vector_load %arg10[%swap3A_559, %swap3A_560] {strides = array<i32>} : memref<80x128xf32, #tpu.memory_space<vmem>>, vector<1x16xf32>,
        %swap3A_562 = vector.shape_cast %swap3A_561 : vector<1x16xf32> to vector<16xf32>
        %swap3A_563 = vector.shape_cast %mul3A_558 : vector<16xf32> to vector<1x16xf32>
        tpu.vector_store %arg10[%swap3A_559, %swap3A_560], %swap3A_563 {strides = array<i32>} : memref<80x128xf32, #tpu.memory_space<vmem>>, vector<1x16xf32>,
        %get3A_564 = arith.index_cast %add3A_490 : i32 to index
        %get3A_565 = arith.constant 112 : index
        %get3A_566 = tpu.vector_load %arg10[%get3A_564, %get3A_565] {strides = array<i32>} : memref<80x128xf32, #tpu.memory_space<vmem>>, vector<1x16xf32>,
        %get3A_567 = vector.shape_cast %get3A_566 : vector<1x16xf32> to vector<16xf32>
        %mul3A_568 = arith.mulf %get3A_567, %broadcast_in_dim3A_493 : vector<16xf32>
        %swap3A_569 = arith.index_cast %add3A_490 : i32 to index
        %swap3A_570 = arith.constant 112 : index
        %swap3A_571 = tpu.vector_load %arg10[%swap3A_569, %swap3A_570] {strides = array<i32>} : memref<80x128xf32, #tpu.memory_space<vmem>>, vector<1x16xf32>,
        %swap3A_572 = vector.shape_cast %swap3A_571 : vector<1x16xf32> to vector<16xf32>
        %swap3A_573 = vector.shape_cast %mul3A_568 : vector<16xf32> to vector<1x16xf32>
        tpu.vector_store %arg10[%swap3A_569, %swap3A_570], %swap3A_573 {strides = array<i32>} : memref<80x128xf32, #tpu.memory_space<vmem>>, vector<1x16xf32>,
        %mul3A_574 = arith.constant 16 : i32
        %mul3A_575 = arith.muli %scan3A_50, %mul3A_574 : i32
        %add3A_576 = arith.constant 6 : i32
        %add3A_577 = arith.addi %mul3A_575, %add3A_576 : i32
        %slice3A_578 = vector.extract_strided_slice %get3A_55 {offsets = [6], sizes = [1], strides = [1]} : vector<16xf32> to vector<1xf32>
        %squeeze3A_579 = vector.extract %slice3A_578[0] : f32 from vector<1xf32>
        %broadcast_in_dim3A_580 = vector.broadcast %squeeze3A_579 : f32 to vector<16xf32>
        %get3A_581 = arith.index_cast %add3A_577 : i32 to index
        %get3A_582 = arith.constant 0 : index
        %get3A_583 = tpu.vector_load %arg10[%get3A_581, %get3A_582] {strides = array<i32>} : memref<80x128xf32, #tpu.memory_space<vmem>>, vector<1x16xf32>,
        %get3A_584 = vector.shape_cast %get3A_583 : vector<1x16xf32> to vector<16xf32>
        %mul3A_585 = arith.mulf %get3A_584, %broadcast_in_dim3A_580 : vector<16xf32>
        %swap3A_586 = arith.index_cast %add3A_577 : i32 to index
        %swap3A_587 = arith.constant 0 : index
        %swap3A_588 = tpu.vector_load %arg10[%swap3A_586, %swap3A_587] {strides = array<i32>} : memref<80x128xf32, #tpu.memory_space<vmem>>, vector<1x16xf32>,
        %swap3A_589 = vector.shape_cast %swap3A_588 : vector<1x16xf32> to vector<16xf32>
        %swap3A_590 = vector.shape_cast %mul3A_585 : vector<16xf32> to vector<1x16xf32>
        tpu.vector_store %arg10[%swap3A_586, %swap3A_587], %swap3A_590 {strides = array<i32>} : memref<80x128xf32, #tpu.memory_space<vmem>>, vector<1x16xf32>,
        %get3A_591 = arith.index_cast %add3A_577 : i32 to index
        %get3A_592 = arith.constant 16 : index
        %get3A_593 = tpu.vector_load %arg10[%get3A_591, %get3A_592] {strides = array<i32>} : memref<80x128xf32, #tpu.memory_space<vmem>>, vector<1x16xf32>,
        %get3A_594 = vector.shape_cast %get3A_593 : vector<1x16xf32> to vector<16xf32>
        %mul3A_595 = arith.mulf %get3A_594, %broadcast_in_dim3A_580 : vector<16xf32>
        %swap3A_596 = arith.index_cast %add3A_577 : i32 to index
        %swap3A_597 = arith.constant 16 : index
        %swap3A_598 = tpu.vector_load %arg10[%swap3A_596, %swap3A_597] {strides = array<i32>} : memref<80x128xf32, #tpu.memory_space<vmem>>, vector<1x16xf32>,
        %swap3A_599 = vector.shape_cast %swap3A_598 : vector<1x16xf32> to vector<16xf32>
        %swap3A_600 = vector.shape_cast %mul3A_595 : vector<16xf32> to vector<1x16xf32>
        tpu.vector_store %arg10[%swap3A_596, %swap3A_597], %swap3A_600 {strides = array<i32>} : memref<80x128xf32, #tpu.memory_space<vmem>>, vector<1x16xf32>,
        %get3A_601 = arith.index_cast %add3A_577 : i32 to index
        %get3A_602 = arith.constant 32 : index
        %get3A_603 = tpu.vector_load %arg10[%get3A_601, %get3A_602] {strides = array<i32>} : memref<80x128xf32, #tpu.memory_space<vmem>>, vector<1x16xf32>,
        %get3A_604 = vector.shape_cast %get3A_603 : vector<1x16xf32> to vector<16xf32>
        %mul3A_605 = arith.mulf %get3A_604, %broadcast_in_dim3A_580 : vector<16xf32>
        %swap3A_606 = arith.index_cast %add3A_577 : i32 to index
        %swap3A_607 = arith.constant 32 : index
        %swap3A_608 = tpu.vector_load %arg10[%swap3A_606, %swap3A_607] {strides = array<i32>} : memref<80x128xf32, #tpu.memory_space<vmem>>, vector<1x16xf32>,
        %swap3A_609 = vector.shape_cast %swap3A_608 : vector<1x16xf32> to vector<16xf32>
        %swap3A_610 = vector.shape_cast %mul3A_605 : vector<16xf32> to vector<1x16xf32>
        tpu.vector_store %arg10[%swap3A_606, %swap3A_607], %swap3A_610 {strides = array<i32>} : memref<80x128xf32, #tpu.memory_space<vmem>>, vector<1x16xf32>,
        %get3A_611 = arith.index_cast %add3A_577 : i32 to index
        %get3A_612 = arith.constant 48 : index
        %get3A_613 = tpu.vector_load %arg10[%get3A_611, %get3A_612] {strides = array<i32>} : memref<80x128xf32, #tpu.memory_space<vmem>>, vector<1x16xf32>,
        %get3A_614 = vector.shape_cast %get3A_613 : vector<1x16xf32> to vector<16xf32>
        %mul3A_615 = arith.mulf %get3A_614, %broadcast_in_dim3A_580 : vector<16xf32>
        %swap3A_616 = arith.index_cast %add3A_577 : i32 to index
        %swap3A_617 = arith.constant 48 : index
        %swap3A_618 = tpu.vector_load %arg10[%swap3A_616, %swap3A_617] {strides = array<i32>} : memref<80x128xf32, #tpu.memory_space<vmem>>, vector<1x16xf32>,
        %swap3A_619 = vector.shape_cast %swap3A_618 : vector<1x16xf32> to vector<16xf32>
        %swap3A_620 = vector.shape_cast %mul3A_615 : vector<16xf32> to vector<1x16xf32>
        tpu.vector_store %arg10[%swap3A_616, %swap3A_617], %swap3A_620 {strides = array<i32>} : memref<80x128xf32, #tpu.memory_space<vmem>>, vector<1x16xf32>,
        %get3A_621 = arith.index_cast %add3A_577 : i32 to index
        %get3A_622 = arith.constant 64 : index
        %get3A_623 = tpu.vector_load %arg10[%get3A_621, %get3A_622] {strides = array<i32>} : memref<80x128xf32, #tpu.memory_space<vmem>>, vector<1x16xf32>,
        %get3A_624 = vector.shape_cast %get3A_623 : vector<1x16xf32> to vector<16xf32>
        %mul3A_625 = arith.mulf %get3A_624, %broadcast_in_dim3A_580 : vector<16xf32>
        %swap3A_626 = arith.index_cast %add3A_577 : i32 to index
        %swap3A_627 = arith.constant 64 : index
        %swap3A_628 = tpu.vector_load %arg10[%swap3A_626, %swap3A_627] {strides = array<i32>} : memref<80x128xf32, #tpu.memory_space<vmem>>, vector<1x16xf32>,
        %swap3A_629 = vector.shape_cast %swap3A_628 : vector<1x16xf32> to vector<16xf32>
        %swap3A_630 = vector.shape_cast %mul3A_625 : vector<16xf32> to vector<1x16xf32>
        tpu.vector_store %arg10[%swap3A_626, %swap3A_627], %swap3A_630 {strides = array<i32>} : memref<80x128xf32, #tpu.memory_space<vmem>>, vector<1x16xf32>,
        %get3A_631 = arith.index_cast %add3A_577 : i32 to index
        %get3A_632 = arith.constant 80 : index
        %get3A_633 = tpu.vector_load %arg10[%get3A_631, %get3A_632] {strides = array<i32>} : memref<80x128xf32, #tpu.memory_space<vmem>>, vector<1x16xf32>,
        %get3A_634 = vector.shape_cast %get3A_633 : vector<1x16xf32> to vector<16xf32>
        %mul3A_635 = arith.mulf %get3A_634, %broadcast_in_dim3A_580 : vector<16xf32>
        %swap3A_636 = arith.index_cast %add3A_577 : i32 to index
        %swap3A_637 = arith.constant 80 : index
        %swap3A_638 = tpu.vector_load %arg10[%swap3A_636, %swap3A_637] {strides = array<i32>} : memref<80x128xf32, #tpu.memory_space<vmem>>, vector<1x16xf32>,
        %swap3A_639 = vector.shape_cast %swap3A_638 : vector<1x16xf32> to vector<16xf32>
        %swap3A_640 = vector.shape_cast %mul3A_635 : vector<16xf32> to vector<1x16xf32>
        tpu.vector_store %arg10[%swap3A_636, %swap3A_637], %swap3A_640 {strides = array<i32>} : memref<80x128xf32, #tpu.memory_space<vmem>>, vector<1x16xf32>,
        %get3A_641 = arith.index_cast %add3A_577 : i32 to index
        %get3A_642 = arith.constant 96 : index
        %get3A_643 = tpu.vector_load %arg10[%get3A_641, %get3A_642] {strides = array<i32>} : memref<80x128xf32, #tpu.memory_space<vmem>>, vector<1x16xf32>,
        %get3A_644 = vector.shape_cast %get3A_643 : vector<1x16xf32> to vector<16xf32>
        %mul3A_645 = arith.mulf %get3A_644, %broadcast_in_dim3A_580 : vector<16xf32>
        %swap3A_646 = arith.index_cast %add3A_577 : i32 to index
        %swap3A_647 = arith.constant 96 : index
        %swap3A_648 = tpu.vector_load %arg10[%swap3A_646, %swap3A_647] {strides = array<i32>} : memref<80x128xf32, #tpu.memory_space<vmem>>, vector<1x16xf32>,
        %swap3A_649 = vector.shape_cast %swap3A_648 : vector<1x16xf32> to vector<16xf32>
        %swap3A_650 = vector.shape_cast %mul3A_645 : vector<16xf32> to vector<1x16xf32>
        tpu.vector_store %arg10[%swap3A_646, %swap3A_647], %swap3A_650 {strides = array<i32>} : memref<80x128xf32, #tpu.memory_space<vmem>>, vector<1x16xf32>,
        %get3A_651 = arith.index_cast %add3A_577 : i32 to index
        %get3A_652 = arith.constant 112 : index
        %get3A_653 = tpu.vector_load %arg10[%get3A_651, %get3A_652] {strides = array<i32>} : memref<80x128xf32, #tpu.memory_space<vmem>>, vector<1x16xf32>,
        %get3A_654 = vector.shape_cast %get3A_653 : vector<1x16xf32> to vector<16xf32>
        %mul3A_655 = arith.mulf %get3A_654, %broadcast_in_dim3A_580 : vector<16xf32>
        %swap3A_656 = arith.index_cast %add3A_577 : i32 to index
        %swap3A_657 = arith.constant 112 : index
        %swap3A_658 = tpu.vector_load %arg10[%swap3A_656, %swap3A_657] {strides = array<i32>} : memref<80x128xf32, #tpu.memory_space<vmem>>, vector<1x16xf32>,
        %swap3A_659 = vector.shape_cast %swap3A_658 : vector<1x16xf32> to vector<16xf32>
        %swap3A_660 = vector.shape_cast %mul3A_655 : vector<16xf32> to vector<1x16xf32>
        tpu.vector_store %arg10[%swap3A_656, %swap3A_657], %swap3A_660 {strides = array<i32>} : memref<80x128xf32, #tpu.memory_space<vmem>>, vector<1x16xf32>,
        %mul3A_661 = arith.constant 16 : i32
        %mul3A_662 = arith.muli %scan3A_50, %mul3A_661 : i32
        %add3A_663 = arith.constant 7 : i32
        %add3A_664 = arith.addi %mul3A_662, %add3A_663 : i32
        %slice3A_665 = vector.extract_strided_slice %get3A_55 {offsets = [7], sizes = [1], strides = [1]} : vector<16xf32> to vector<1xf32>
        %squeeze3A_666 = vector.extract %slice3A_665[0] : f32 from vector<1xf32>
        %broadcast_in_dim3A_667 = vector.broadcast %squeeze3A_666 : f32 to vector<16xf32>
        %get3A_668 = arith.index_cast %add3A_664 : i32 to index
        %get3A_669 = arith.constant 0 : index
        %get3A_670 = tpu.vector_load %arg10[%get3A_668, %get3A_669] {strides = array<i32>} : memref<80x128xf32, #tpu.memory_space<vmem>>, vector<1x16xf32>,
        %get3A_671 = vector.shape_cast %get3A_670 : vector<1x16xf32> to vector<16xf32>
        %mul3A_672 = arith.mulf %get3A_671, %broadcast_in_dim3A_667 : vector<16xf32>
        %swap3A_673 = arith.index_cast %add3A_664 : i32 to index
        %swap3A_674 = arith.constant 0 : index
        %swap3A_675 = tpu.vector_load %arg10[%swap3A_673, %swap3A_674] {strides = array<i32>} : memref<80x128xf32, #tpu.memory_space<vmem>>, vector<1x16xf32>,
        %swap3A_676 = vector.shape_cast %swap3A_675 : vector<1x16xf32> to vector<16xf32>
        %swap3A_677 = vector.shape_cast %mul3A_672 : vector<16xf32> to vector<1x16xf32>
        tpu.vector_store %arg10[%swap3A_673, %swap3A_674], %swap3A_677 {strides = array<i32>} : memref<80x128xf32, #tpu.memory_space<vmem>>, vector<1x16xf32>,
        %get3A_678 = arith.index_cast %add3A_664 : i32 to index
        %get3A_679 = arith.constant 16 : index
        %get3A_680 = tpu.vector_load %arg10[%get3A_678, %get3A_679] {strides = array<i32>} : memref<80x128xf32, #tpu.memory_space<vmem>>, vector<1x16xf32>,
        %get3A_681 = vector.shape_cast %get3A_680 : vector<1x16xf32> to vector<16xf32>
        %mul3A_682 = arith.mulf %get3A_681, %broadcast_in_dim3A_667 : vector<16xf32>
        %swap3A_683 = arith.index_cast %add3A_664 : i32 to index
        %swap3A_684 = arith.constant 16 : index
        %swap3A_685 = tpu.vector_load %arg10[%swap3A_683, %swap3A_684] {strides = array<i32>} : memref<80x128xf32, #tpu.memory_space<vmem>>, vector<1x16xf32>,
        %swap3A_686 = vector.shape_cast %swap3A_685 : vector<1x16xf32> to vector<16xf32>
        %swap3A_687 = vector.shape_cast %mul3A_682 : vector<16xf32> to vector<1x16xf32>
        tpu.vector_store %arg10[%swap3A_683, %swap3A_684], %swap3A_687 {strides = array<i32>} : memref<80x128xf32, #tpu.memory_space<vmem>>, vector<1x16xf32>,
        %get3A_688 = arith.index_cast %add3A_664 : i32 to index
        %get3A_689 = arith.constant 32 : index
        %get3A_690 = tpu.vector_load %arg10[%get3A_688, %get3A_689] {strides = array<i32>} : memref<80x128xf32, #tpu.memory_space<vmem>>, vector<1x16xf32>,
        %get3A_691 = vector.shape_cast %get3A_690 : vector<1x16xf32> to vector<16xf32>
        %mul3A_692 = arith.mulf %get3A_691, %broadcast_in_dim3A_667 : vector<16xf32>
        %swap3A_693 = arith.index_cast %add3A_664 : i32 to index
        %swap3A_694 = arith.constant 32 : index
        %swap3A_695 = tpu.vector_load %arg10[%swap3A_693, %swap3A_694] {strides = array<i32>} : memref<80x128xf32, #tpu.memory_space<vmem>>, vector<1x16xf32>,
        %swap3A_696 = vector.shape_cast %swap3A_695 : vector<1x16xf32> to vector<16xf32>
        %swap3A_697 = vector.shape_cast %mul3A_692 : vector<16xf32> to vector<1x16xf32>
        tpu.vector_store %arg10[%swap3A_693, %swap3A_694], %swap3A_697 {strides = array<i32>} : memref<80x128xf32, #tpu.memory_space<vmem>>, vector<1x16xf32>,
        %get3A_698 = arith.index_cast %add3A_664 : i32 to index
        %get3A_699 = arith.constant 48 : index
        %get3A_700 = tpu.vector_load %arg10[%get3A_698, %get3A_699] {strides = array<i32>} : memref<80x128xf32, #tpu.memory_space<vmem>>, vector<1x16xf32>,
        %get3A_701 = vector.shape_cast %get3A_700 : vector<1x16xf32> to vector<16xf32>
        %mul3A_702 = arith.mulf %get3A_701, %broadcast_in_dim3A_667 : vector<16xf32>
        %swap3A_703 = arith.index_cast %add3A_664 : i32 to index
        %swap3A_704 = arith.constant 48 : index
        %swap3A_705 = tpu.vector_load %arg10[%swap3A_703, %swap3A_704] {strides = array<i32>} : memref<80x128xf32, #tpu.memory_space<vmem>>, vector<1x16xf32>,
        %swap3A_706 = vector.shape_cast %swap3A_705 : vector<1x16xf32> to vector<16xf32>
        %swap3A_707 = vector.shape_cast %mul3A_702 : vector<16xf32> to vector<1x16xf32>
        tpu.vector_store %arg10[%swap3A_703, %swap3A_704], %swap3A_707 {strides = array<i32>} : memref<80x128xf32, #tpu.memory_space<vmem>>, vector<1x16xf32>,
        %get3A_708 = arith.index_cast %add3A_664 : i32 to index
        %get3A_709 = arith.constant 64 : index
        %get3A_710 = tpu.vector_load %arg10[%get3A_708, %get3A_709] {strides = array<i32>} : memref<80x128xf32, #tpu.memory_space<vmem>>, vector<1x16xf32>,
        %get3A_711 = vector.shape_cast %get3A_710 : vector<1x16xf32> to vector<16xf32>
        %mul3A_712 = arith.mulf %get3A_711, %broadcast_in_dim3A_667 : vector<16xf32>
        %swap3A_713 = arith.index_cast %add3A_664 : i32 to index
        %swap3A_714 = arith.constant 64 : index
        %swap3A_715 = tpu.vector_load %arg10[%swap3A_713, %swap3A_714] {strides = array<i32>} : memref<80x128xf32, #tpu.memory_space<vmem>>, vector<1x16xf32>,
        %swap3A_716 = vector.shape_cast %swap3A_715 : vector<1x16xf32> to vector<16xf32>
        %swap3A_717 = vector.shape_cast %mul3A_712 : vector<16xf32> to vector<1x16xf32>
        tpu.vector_store %arg10[%swap3A_713, %swap3A_714], %swap3A_717 {strides = array<i32>} : memref<80x128xf32, #tpu.memory_space<vmem>>, vector<1x16xf32>,
        %get3A_718 = arith.index_cast %add3A_664 : i32 to index
        %get3A_719 = arith.constant 80 : index
        %get3A_720 = tpu.vector_load %arg10[%get3A_718, %get3A_719] {strides = array<i32>} : memref<80x128xf32, #tpu.memory_space<vmem>>, vector<1x16xf32>,
        %get3A_721 = vector.shape_cast %get3A_720 : vector<1x16xf32> to vector<16xf32>
        %mul3A_722 = arith.mulf %get3A_721, %broadcast_in_dim3A_667 : vector<16xf32>
        %swap3A_723 = arith.index_cast %add3A_664 : i32 to index
        %swap3A_724 = arith.constant 80 : index
        %swap3A_725 = tpu.vector_load %arg10[%swap3A_723, %swap3A_724] {strides = array<i32>} : memref<80x128xf32, #tpu.memory_space<vmem>>, vector<1x16xf32>,
        %swap3A_726 = vector.shape_cast %swap3A_725 : vector<1x16xf32> to vector<16xf32>
        %swap3A_727 = vector.shape_cast %mul3A_722 : vector<16xf32> to vector<1x16xf32>
        tpu.vector_store %arg10[%swap3A_723, %swap3A_724], %swap3A_727 {strides = array<i32>} : memref<80x128xf32, #tpu.memory_space<vmem>>, vector<1x16xf32>,
        %get3A_728 = arith.index_cast %add3A_664 : i32 to index
        %get3A_729 = arith.constant 96 : index
        %get3A_730 = tpu.vector_load %arg10[%get3A_728, %get3A_729] {strides = array<i32>} : memref<80x128xf32, #tpu.memory_space<vmem>>, vector<1x16xf32>,
        %get3A_731 = vector.shape_cast %get3A_730 : vector<1x16xf32> to vector<16xf32>
        %mul3A_732 = arith.mulf %get3A_731, %broadcast_in_dim3A_667 : vector<16xf32>
        %swap3A_733 = arith.index_cast %add3A_664 : i32 to index
        %swap3A_734 = arith.constant 96 : index
        %swap3A_735 = tpu.vector_load %arg10[%swap3A_733, %swap3A_734] {strides = array<i32>} : memref<80x128xf32, #tpu.memory_space<vmem>>, vector<1x16xf32>,
        %swap3A_736 = vector.shape_cast %swap3A_735 : vector<1x16xf32> to vector<16xf32>
        %swap3A_737 = vector.shape_cast %mul3A_732 : vector<16xf32> to vector<1x16xf32>
        tpu.vector_store %arg10[%swap3A_733, %swap3A_734], %swap3A_737 {strides = array<i32>} : memref<80x128xf32, #tpu.memory_space<vmem>>, vector<1x16xf32>,
        %get3A_738 = arith.index_cast %add3A_664 : i32 to index
        %get3A_739 = arith.constant 112 : index
        %get3A_740 = tpu.vector_load %arg10[%get3A_738, %get3A_739] {strides = array<i32>} : memref<80x128xf32, #tpu.memory_space<vmem>>, vector<1x16xf32>,
        %get3A_741 = vector.shape_cast %get3A_740 : vector<1x16xf32> to vector<16xf32>
        %mul3A_742 = arith.mulf %get3A_741, %broadcast_in_dim3A_667 : vector<16xf32>
        %swap3A_743 = arith.index_cast %add3A_664 : i32 to index
        %swap3A_744 = arith.constant 112 : index
        %swap3A_745 = tpu.vector_load %arg10[%swap3A_743, %swap3A_744] {strides = array<i32>} : memref<80x128xf32, #tpu.memory_space<vmem>>, vector<1x16xf32>,
        %swap3A_746 = vector.shape_cast %swap3A_745 : vector<1x16xf32> to vector<16xf32>
        %swap3A_747 = vector.shape_cast %mul3A_742 : vector<16xf32> to vector<1x16xf32>
        tpu.vector_store %arg10[%swap3A_743, %swap3A_744], %swap3A_747 {strides = array<i32>} : memref<80x128xf32, #tpu.memory_space<vmem>>, vector<1x16xf32>,
        %mul3A_748 = arith.constant 16 : i32
        %mul3A_749 = arith.muli %scan3A_50, %mul3A_748 : i32
        %add3A_750 = arith.constant 8 : i32
        %add3A_751 = arith.addi %mul3A_749, %add3A_750 : i32
        %slice3A_752 = vector.extract_strided_slice %get3A_55 {offsets = [8], sizes = [1], strides = [1]} : vector<16xf32> to vector<1xf32>
        %squeeze3A_753 = vector.extract %slice3A_752[0] : f32 from vector<1xf32>
        %broadcast_in_dim3A_754 = vector.broadcast %squeeze3A_753 : f32 to vector<16xf32>
        %get3A_755 = arith.index_cast %add3A_751 : i32 to index
        %get3A_756 = arith.constant 0 : index
        %get3A_757 = tpu.vector_load %arg10[%get3A_755, %get3A_756] {strides = array<i32>} : memref<80x128xf32, #tpu.memory_space<vmem>>, vector<1x16xf32>,
        %get3A_758 = vector.shape_cast %get3A_757 : vector<1x16xf32> to vector<16xf32>
        %mul3A_759 = arith.mulf %get3A_758, %broadcast_in_dim3A_754 : vector<16xf32>
        %swap3A_760 = arith.index_cast %add3A_751 : i32 to index
        %swap3A_761 = arith.constant 0 : index
        %swap3A_762 = tpu.vector_load %arg10[%swap3A_760, %swap3A_761] {strides = array<i32>} : memref<80x128xf32, #tpu.memory_space<vmem>>, vector<1x16xf32>,
        %swap3A_763 = vector.shape_cast %swap3A_762 : vector<1x16xf32> to vector<16xf32>
        %swap3A_764 = vector.shape_cast %mul3A_759 : vector<16xf32> to vector<1x16xf32>
        tpu.vector_store %arg10[%swap3A_760, %swap3A_761], %swap3A_764 {strides = array<i32>} : memref<80x128xf32, #tpu.memory_space<vmem>>, vector<1x16xf32>,
        %get3A_765 = arith.index_cast %add3A_751 : i32 to index
        %get3A_766 = arith.constant 16 : index
        %get3A_767 = tpu.vector_load %arg10[%get3A_765, %get3A_766] {strides = array<i32>} : memref<80x128xf32, #tpu.memory_space<vmem>>, vector<1x16xf32>,
        %get3A_768 = vector.shape_cast %get3A_767 : vector<1x16xf32> to vector<16xf32>
        %mul3A_769 = arith.mulf %get3A_768, %broadcast_in_dim3A_754 : vector<16xf32>
        %swap3A_770 = arith.index_cast %add3A_751 : i32 to index
        %swap3A_771 = arith.constant 16 : index
        %swap3A_772 = tpu.vector_load %arg10[%swap3A_770, %swap3A_771] {strides = array<i32>} : memref<80x128xf32, #tpu.memory_space<vmem>>, vector<1x16xf32>,
        %swap3A_773 = vector.shape_cast %swap3A_772 : vector<1x16xf32> to vector<16xf32>
        %swap3A_774 = vector.shape_cast %mul3A_769 : vector<16xf32> to vector<1x16xf32>
        tpu.vector_store %arg10[%swap3A_770, %swap3A_771], %swap3A_774 {strides = array<i32>} : memref<80x128xf32, #tpu.memory_space<vmem>>, vector<1x16xf32>,
        %get3A_775 = arith.index_cast %add3A_751 : i32 to index
        %get3A_776 = arith.constant 32 : index
        %get3A_777 = tpu.vector_load %arg10[%get3A_775, %get3A_776] {strides = array<i32>} : memref<80x128xf32, #tpu.memory_space<vmem>>, vector<1x16xf32>,
        %get3A_778 = vector.shape_cast %get3A_777 : vector<1x16xf32> to vector<16xf32>
        %mul3A_779 = arith.mulf %get3A_778, %broadcast_in_dim3A_754 : vector<16xf32>
        %swap3A_780 = arith.index_cast %add3A_751 : i32 to index
        %swap3A_781 = arith.constant 32 : index
        %swap3A_782 = tpu.vector_load %arg10[%swap3A_780, %swap3A_781] {strides = array<i32>} : memref<80x128xf32, #tpu.memory_space<vmem>>, vector<1x16xf32>,
        %swap3A_783 = vector.shape_cast %swap3A_782 : vector<1x16xf32> to vector<16xf32>
        %swap3A_784 = vector.shape_cast %mul3A_779 : vector<16xf32> to vector<1x16xf32>
        tpu.vector_store %arg10[%swap3A_780, %swap3A_781], %swap3A_784 {strides = array<i32>} : memref<80x128xf32, #tpu.memory_space<vmem>>, vector<1x16xf32>,
        %get3A_785 = arith.index_cast %add3A_751 : i32 to index
        %get3A_786 = arith.constant 48 : index
        %get3A_787 = tpu.vector_load %arg10[%get3A_785, %get3A_786] {strides = array<i32>} : memref<80x128xf32, #tpu.memory_space<vmem>>, vector<1x16xf32>,
        %get3A_788 = vector.shape_cast %get3A_787 : vector<1x16xf32> to vector<16xf32>
        %mul3A_789 = arith.mulf %get3A_788, %broadcast_in_dim3A_754 : vector<16xf32>
        %swap3A_790 = arith.index_cast %add3A_751 : i32 to index
        %swap3A_791 = arith.constant 48 : index
        %swap3A_792 = tpu.vector_load %arg10[%swap3A_790, %swap3A_791] {strides = array<i32>} : memref<80x128xf32, #tpu.memory_space<vmem>>, vector<1x16xf32>,
        %swap3A_793 = vector.shape_cast %swap3A_792 : vector<1x16xf32> to vector<16xf32>
        %swap3A_794 = vector.shape_cast %mul3A_789 : vector<16xf32> to vector<1x16xf32>
        tpu.vector_store %arg10[%swap3A_790, %swap3A_791], %swap3A_794 {strides = array<i32>} : memref<80x128xf32, #tpu.memory_space<vmem>>, vector<1x16xf32>,
        %get3A_795 = arith.index_cast %add3A_751 : i32 to index
        %get3A_796 = arith.constant 64 : index
        %get3A_797 = tpu.vector_load %arg10[%get3A_795, %get3A_796] {strides = array<i32>} : memref<80x128xf32, #tpu.memory_space<vmem>>, vector<1x16xf32>,
        %get3A_798 = vector.shape_cast %get3A_797 : vector<1x16xf32> to vector<16xf32>
        %mul3A_799 = arith.mulf %get3A_798, %broadcast_in_dim3A_754 : vector<16xf32>
        %swap3A_800 = arith.index_cast %add3A_751 : i32 to index
        %swap3A_801 = arith.constant 64 : index
        %swap3A_802 = tpu.vector_load %arg10[%swap3A_800, %swap3A_801] {strides = array<i32>} : memref<80x128xf32, #tpu.memory_space<vmem>>, vector<1x16xf32>,
        %swap3A_803 = vector.shape_cast %swap3A_802 : vector<1x16xf32> to vector<16xf32>
        %swap3A_804 = vector.shape_cast %mul3A_799 : vector<16xf32> to vector<1x16xf32>
        tpu.vector_store %arg10[%swap3A_800, %swap3A_801], %swap3A_804 {strides = array<i32>} : memref<80x128xf32, #tpu.memory_space<vmem>>, vector<1x16xf32>,
        %get3A_805 = arith.index_cast %add3A_751 : i32 to index
        %get3A_806 = arith.constant 80 : index
        %get3A_807 = tpu.vector_load %arg10[%get3A_805, %get3A_806] {strides = array<i32>} : memref<80x128xf32, #tpu.memory_space<vmem>>, vector<1x16xf32>,
        %get3A_808 = vector.shape_cast %get3A_807 : vector<1x16xf32> to vector<16xf32>
        %mul3A_809 = arith.mulf %get3A_808, %broadcast_in_dim3A_754 : vector<16xf32>
        %swap3A_810 = arith.index_cast %add3A_751 : i32 to index
        %swap3A_811 = arith.constant 80 : index
        %swap3A_812 = tpu.vector_load %arg10[%swap3A_810, %swap3A_811] {strides = array<i32>} : memref<80x128xf32, #tpu.memory_space<vmem>>, vector<1x16xf32>,
        %swap3A_813 = vector.shape_cast %swap3A_812 : vector<1x16xf32> to vector<16xf32>
        %swap3A_814 = vector.shape_cast %mul3A_809 : vector<16xf32> to vector<1x16xf32>
        tpu.vector_store %arg10[%swap3A_810, %swap3A_811], %swap3A_814 {strides = array<i32>} : memref<80x128xf32, #tpu.memory_space<vmem>>, vector<1x16xf32>,
        %get3A_815 = arith.index_cast %add3A_751 : i32 to index
        %get3A_816 = arith.constant 96 : index
        %get3A_817 = tpu.vector_load %arg10[%get3A_815, %get3A_816] {strides = array<i32>} : memref<80x128xf32, #tpu.memory_space<vmem>>, vector<1x16xf32>,
        %get3A_818 = vector.shape_cast %get3A_817 : vector<1x16xf32> to vector<16xf32>
        %mul3A_819 = arith.mulf %get3A_818, %broadcast_in_dim3A_754 : vector<16xf32>
        %swap3A_820 = arith.index_cast %add3A_751 : i32 to index
        %swap3A_821 = arith.constant 96 : index
        %swap3A_822 = tpu.vector_load %arg10[%swap3A_820, %swap3A_821] {strides = array<i32>} : memref<80x128xf32, #tpu.memory_space<vmem>>, vector<1x16xf32>,
        %swap3A_823 = vector.shape_cast %swap3A_822 : vector<1x16xf32> to vector<16xf32>
        %swap3A_824 = vector.shape_cast %mul3A_819 : vector<16xf32> to vector<1x16xf32>
        tpu.vector_store %arg10[%swap3A_820, %swap3A_821], %swap3A_824 {strides = array<i32>} : memref<80x128xf32, #tpu.memory_space<vmem>>, vector<1x16xf32>,
        %get3A_825 = arith.index_cast %add3A_751 : i32 to index
        %get3A_826 = arith.constant 112 : index
        %get3A_827 = tpu.vector_load %arg10[%get3A_825, %get3A_826] {strides = array<i32>} : memref<80x128xf32, #tpu.memory_space<vmem>>, vector<1x16xf32>,
        %get3A_828 = vector.shape_cast %get3A_827 : vector<1x16xf32> to vector<16xf32>
        %mul3A_829 = arith.mulf %get3A_828, %broadcast_in_dim3A_754 : vector<16xf32>
        %swap3A_830 = arith.index_cast %add3A_751 : i32 to index
        %swap3A_831 = arith.constant 112 : index
        %swap3A_832 = tpu.vector_load %arg10[%swap3A_830, %swap3A_831] {strides = array<i32>} : memref<80x128xf32, #tpu.memory_space<vmem>>, vector<1x16xf32>,
        %swap3A_833 = vector.shape_cast %swap3A_832 : vector<1x16xf32> to vector<16xf32>
        %swap3A_834 = vector.shape_cast %mul3A_829 : vector<16xf32> to vector<1x16xf32>
        tpu.vector_store %arg10[%swap3A_830, %swap3A_831], %swap3A_834 {strides = array<i32>} : memref<80x128xf32, #tpu.memory_space<vmem>>, vector<1x16xf32>,
        %mul3A_835 = arith.constant 16 : i32
        %mul3A_836 = arith.muli %scan3A_50, %mul3A_835 : i32
        %add3A_837 = arith.constant 9 : i32
        %add3A_838 = arith.addi %mul3A_836, %add3A_837 : i32
        %slice3A_839 = vector.extract_strided_slice %get3A_55 {offsets = [9], sizes = [1], strides = [1]} : vector<16xf32> to vector<1xf32>
        %squeeze3A_840 = vector.extract %slice3A_839[0] : f32 from vector<1xf32>
        %broadcast_in_dim3A_841 = vector.broadcast %squeeze3A_840 : f32 to vector<16xf32>
        %get3A_842 = arith.index_cast %add3A_838 : i32 to index
        %get3A_843 = arith.constant 0 : index
        %get3A_844 = tpu.vector_load %arg10[%get3A_842, %get3A_843] {strides = array<i32>} : memref<80x128xf32, #tpu.memory_space<vmem>>, vector<1x16xf32>,
        %get3A_845 = vector.shape_cast %get3A_844 : vector<1x16xf32> to vector<16xf32>
        %mul3A_846 = arith.mulf %get3A_845, %broadcast_in_dim3A_841 : vector<16xf32>
        %swap3A_847 = arith.index_cast %add3A_838 : i32 to index
        %swap3A_848 = arith.constant 0 : index
        %swap3A_849 = tpu.vector_load %arg10[%swap3A_847, %swap3A_848] {strides = array<i32>} : memref<80x128xf32, #tpu.memory_space<vmem>>, vector<1x16xf32>,
        %swap3A_850 = vector.shape_cast %swap3A_849 : vector<1x16xf32> to vector<16xf32>
        %swap3A_851 = vector.shape_cast %mul3A_846 : vector<16xf32> to vector<1x16xf32>
        tpu.vector_store %arg10[%swap3A_847, %swap3A_848], %swap3A_851 {strides = array<i32>} : memref<80x128xf32, #tpu.memory_space<vmem>>, vector<1x16xf32>,
        %get3A_852 = arith.index_cast %add3A_838 : i32 to index
        %get3A_853 = arith.constant 16 : index
        %get3A_854 = tpu.vector_load %arg10[%get3A_852, %get3A_853] {strides = array<i32>} : memref<80x128xf32, #tpu.memory_space<vmem>>, vector<1x16xf32>,
        %get3A_855 = vector.shape_cast %get3A_854 : vector<1x16xf32> to vector<16xf32>
        %mul3A_856 = arith.mulf %get3A_855, %broadcast_in_dim3A_841 : vector<16xf32>
        %swap3A_857 = arith.index_cast %add3A_838 : i32 to index
        %swap3A_858 = arith.constant 16 : index
        %swap3A_859 = tpu.vector_load %arg10[%swap3A_857, %swap3A_858] {strides = array<i32>} : memref<80x128xf32, #tpu.memory_space<vmem>>, vector<1x16xf32>,
        %swap3A_860 = vector.shape_cast %swap3A_859 : vector<1x16xf32> to vector<16xf32>
        %swap3A_861 = vector.shape_cast %mul3A_856 : vector<16xf32> to vector<1x16xf32>
        tpu.vector_store %arg10[%swap3A_857, %swap3A_858], %swap3A_861 {strides = array<i32>} : memref<80x128xf32, #tpu.memory_space<vmem>>, vector<1x16xf32>,
        %get3A_862 = arith.index_cast %add3A_838 : i32 to index
        %get3A_863 = arith.constant 32 : index
        %get3A_864 = tpu.vector_load %arg10[%get3A_862, %get3A_863] {strides = array<i32>} : memref<80x128xf32, #tpu.memory_space<vmem>>, vector<1x16xf32>,
        %get3A_865 = vector.shape_cast %get3A_864 : vector<1x16xf32> to vector<16xf32>
        %mul3A_866 = arith.mulf %get3A_865, %broadcast_in_dim3A_841 : vector<16xf32>
        %swap3A_867 = arith.index_cast %add3A_838 : i32 to index
        %swap3A_868 = arith.constant 32 : index
        %swap3A_869 = tpu.vector_load %arg10[%swap3A_867, %swap3A_868] {strides = array<i32>} : memref<80x128xf32, #tpu.memory_space<vmem>>, vector<1x16xf32>,
        %swap3A_870 = vector.shape_cast %swap3A_869 : vector<1x16xf32> to vector<16xf32>
        %swap3A_871 = vector.shape_cast %mul3A_866 : vector<16xf32> to vector<1x16xf32>
        tpu.vector_store %arg10[%swap3A_867, %swap3A_868], %swap3A_871 {strides = array<i32>} : memref<80x128xf32, #tpu.memory_space<vmem>>, vector<1x16xf32>,
        %get3A_872 = arith.index_cast %add3A_838 : i32 to index
        %get3A_873 = arith.constant 48 : index
        %get3A_874 = tpu.vector_load %arg10[%get3A_872, %get3A_873] {strides = array<i32>} : memref<80x128xf32, #tpu.memory_space<vmem>>, vector<1x16xf32>,
        %get3A_875 = vector.shape_cast %get3A_874 : vector<1x16xf32> to vector<16xf32>
        %mul3A_876 = arith.mulf %get3A_875, %broadcast_in_dim3A_841 : vector<16xf32>
        %swap3A_877 = arith.index_cast %add3A_838 : i32 to index
        %swap3A_878 = arith.constant 48 : index
        %swap3A_879 = tpu.vector_load %arg10[%swap3A_877, %swap3A_878] {strides = array<i32>} : memref<80x128xf32, #tpu.memory_space<vmem>>, vector<1x16xf32>,
        %swap3A_880 = vector.shape_cast %swap3A_879 : vector<1x16xf32> to vector<16xf32>
        %swap3A_881 = vector.shape_cast %mul3A_876 : vector<16xf32> to vector<1x16xf32>
        tpu.vector_store %arg10[%swap3A_877, %swap3A_878], %swap3A_881 {strides = array<i32>} : memref<80x128xf32, #tpu.memory_space<vmem>>, vector<1x16xf32>,
        %get3A_882 = arith.index_cast %add3A_838 : i32 to index
        %get3A_883 = arith.constant 64 : index
        %get3A_884 = tpu.vector_load %arg10[%get3A_882, %get3A_883] {strides = array<i32>} : memref<80x128xf32, #tpu.memory_space<vmem>>, vector<1x16xf32>,
        %get3A_885 = vector.shape_cast %get3A_884 : vector<1x16xf32> to vector<16xf32>
        %mul3A_886 = arith.mulf %get3A_885, %broadcast_in_dim3A_841 : vector<16xf32>
        %swap3A_887 = arith.index_cast %add3A_838 : i32 to index
        %swap3A_888 = arith.constant 64 : index
        %swap3A_889 = tpu.vector_load %arg10[%swap3A_887, %swap3A_888] {strides = array<i32>} : memref<80x128xf32, #tpu.memory_space<vmem>>, vector<1x16xf32>,
        %swap3A_890 = vector.shape_cast %swap3A_889 : vector<1x16xf32> to vector<16xf32>
        %swap3A_891 = vector.shape_cast %mul3A_886 : vector<16xf32> to vector<1x16xf32>
        tpu.vector_store %arg10[%swap3A_887, %swap3A_888], %swap3A_891 {strides = array<i32>} : memref<80x128xf32, #tpu.memory_space<vmem>>, vector<1x16xf32>,
        %get3A_892 = arith.index_cast %add3A_838 : i32 to index
        %get3A_893 = arith.constant 80 : index
        %get3A_894 = tpu.vector_load %arg10[%get3A_892, %get3A_893] {strides = array<i32>} : memref<80x128xf32, #tpu.memory_space<vmem>>, vector<1x16xf32>,
        %get3A_895 = vector.shape_cast %get3A_894 : vector<1x16xf32> to vector<16xf32>
        %mul3A_896 = arith.mulf %get3A_895, %broadcast_in_dim3A_841 : vector<16xf32>
        %swap3A_897 = arith.index_cast %add3A_838 : i32 to index
        %swap3A_898 = arith.constant 80 : index
        %swap3A_899 = tpu.vector_load %arg10[%swap3A_897, %swap3A_898] {strides = array<i32>} : memref<80x128xf32, #tpu.memory_space<vmem>>, vector<1x16xf32>,
        %swap3A_900 = vector.shape_cast %swap3A_899 : vector<1x16xf32> to vector<16xf32>
        %swap3A_901 = vector.shape_cast %mul3A_896 : vector<16xf32> to vector<1x16xf32>
        tpu.vector_store %arg10[%swap3A_897, %swap3A_898], %swap3A_901 {strides = array<i32>} : memref<80x128xf32, #tpu.memory_space<vmem>>, vector<1x16xf32>,
        %get3A_902 = arith.index_cast %add3A_838 : i32 to index
        %get3A_903 = arith.constant 96 : index
        %get3A_904 = tpu.vector_load %arg10[%get3A_902, %get3A_903] {strides = array<i32>} : memref<80x128xf32, #tpu.memory_space<vmem>>, vector<1x16xf32>,
        %get3A_905 = vector.shape_cast %get3A_904 : vector<1x16xf32> to vector<16xf32>
        %mul3A_906 = arith.mulf %get3A_905, %broadcast_in_dim3A_841 : vector<16xf32>
        %swap3A_907 = arith.index_cast %add3A_838 : i32 to index
        %swap3A_908 = arith.constant 96 : index
        %swap3A_909 = tpu.vector_load %arg10[%swap3A_907, %swap3A_908] {strides = array<i32>} : memref<80x128xf32, #tpu.memory_space<vmem>>, vector<1x16xf32>,
        %swap3A_910 = vector.shape_cast %swap3A_909 : vector<1x16xf32> to vector<16xf32>
        %swap3A_911 = vector.shape_cast %mul3A_906 : vector<16xf32> to vector<1x16xf32>
        tpu.vector_store %arg10[%swap3A_907, %swap3A_908], %swap3A_911 {strides = array<i32>} : memref<80x128xf32, #tpu.memory_space<vmem>>, vector<1x16xf32>,
        %get3A_912 = arith.index_cast %add3A_838 : i32 to index
        %get3A_913 = arith.constant 112 : index
        %get3A_914 = tpu.vector_load %arg10[%get3A_912, %get3A_913] {strides = array<i32>} : memref<80x128xf32, #tpu.memory_space<vmem>>, vector<1x16xf32>,
        %get3A_915 = vector.shape_cast %get3A_914 : vector<1x16xf32> to vector<16xf32>
        %mul3A_916 = arith.mulf %get3A_915, %broadcast_in_dim3A_841 : vector<16xf32>
        %swap3A_917 = arith.index_cast %add3A_838 : i32 to index
        %swap3A_918 = arith.constant 112 : index
        %swap3A_919 = tpu.vector_load %arg10[%swap3A_917, %swap3A_918] {strides = array<i32>} : memref<80x128xf32, #tpu.memory_space<vmem>>, vector<1x16xf32>,
        %swap3A_920 = vector.shape_cast %swap3A_919 : vector<1x16xf32> to vector<16xf32>
        %swap3A_921 = vector.shape_cast %mul3A_916 : vector<16xf32> to vector<1x16xf32>
        tpu.vector_store %arg10[%swap3A_917, %swap3A_918], %swap3A_921 {strides = array<i32>} : memref<80x128xf32, #tpu.memory_space<vmem>>, vector<1x16xf32>,
        %mul3A_922 = arith.constant 16 : i32
        %mul3A_923 = arith.muli %scan3A_50, %mul3A_922 : i32
        %add3A_924 = arith.constant 10 : i32
        %add3A_925 = arith.addi %mul3A_923, %add3A_924 : i32
        %slice3A_926 = vector.extract_strided_slice %get3A_55 {offsets = [10], sizes = [1], strides = [1]} : vector<16xf32> to vector<1xf32>
        %squeeze3A_927 = vector.extract %slice3A_926[0] : f32 from vector<1xf32>
        %broadcast_in_dim3A_928 = vector.broadcast %squeeze3A_927 : f32 to vector<16xf32>
        %get3A_929 = arith.index_cast %add3A_925 : i32 to index
        %get3A_930 = arith.constant 0 : index
        %get3A_931 = tpu.vector_load %arg10[%get3A_929, %get3A_930] {strides = array<i32>} : memref<80x128xf32, #tpu.memory_space<vmem>>, vector<1x16xf32>,
        %get3A_932 = vector.shape_cast %get3A_931 : vector<1x16xf32> to vector<16xf32>
        %mul3A_933 = arith.mulf %get3A_932, %broadcast_in_dim3A_928 : vector<16xf32>
        %swap3A_934 = arith.index_cast %add3A_925 : i32 to index
        %swap3A_935 = arith.constant 0 : index
        %swap3A_936 = tpu.vector_load %arg10[%swap3A_934, %swap3A_935] {strides = array<i32>} : memref<80x128xf32, #tpu.memory_space<vmem>>, vector<1x16xf32>,
        %swap3A_937 = vector.shape_cast %swap3A_936 : vector<1x16xf32> to vector<16xf32>
        %swap3A_938 = vector.shape_cast %mul3A_933 : vector<16xf32> to vector<1x16xf32>
        tpu.vector_store %arg10[%swap3A_934, %swap3A_935], %swap3A_938 {strides = array<i32>} : memref<80x128xf32, #tpu.memory_space<vmem>>, vector<1x16xf32>,
        %get3A_939 = arith.index_cast %add3A_925 : i32 to index
        %get3A_940 = arith.constant 16 : index
        %get3A_941 = tpu.vector_load %arg10[%get3A_939, %get3A_940] {strides = array<i32>} : memref<80x128xf32, #tpu.memory_space<vmem>>, vector<1x16xf32>,
        %get3A_942 = vector.shape_cast %get3A_941 : vector<1x16xf32> to vector<16xf32>
        %mul3A_943 = arith.mulf %get3A_942, %broadcast_in_dim3A_928 : vector<16xf32>
        %swap3A_944 = arith.index_cast %add3A_925 : i32 to index
        %swap3A_945 = arith.constant 16 : index
        %swap3A_946 = tpu.vector_load %arg10[%swap3A_944, %swap3A_945] {strides = array<i32>} : memref<80x128xf32, #tpu.memory_space<vmem>>, vector<1x16xf32>,
        %swap3A_947 = vector.shape_cast %swap3A_946 : vector<1x16xf32> to vector<16xf32>
        %swap3A_948 = vector.shape_cast %mul3A_943 : vector<16xf32> to vector<1x16xf32>
        tpu.vector_store %arg10[%swap3A_944, %swap3A_945], %swap3A_948 {strides = array<i32>} : memref<80x128xf32, #tpu.memory_space<vmem>>, vector<1x16xf32>,
        %get3A_949 = arith.index_cast %add3A_925 : i32 to index
        %get3A_950 = arith.constant 32 : index
        %get3A_951 = tpu.vector_load %arg10[%get3A_949, %get3A_950] {strides = array<i32>} : memref<80x128xf32, #tpu.memory_space<vmem>>, vector<1x16xf32>,
        %get3A_952 = vector.shape_cast %get3A_951 : vector<1x16xf32> to vector<16xf32>
        %mul3A_953 = arith.mulf %get3A_952, %broadcast_in_dim3A_928 : vector<16xf32>
        %swap3A_954 = arith.index_cast %add3A_925 : i32 to index
        %swap3A_955 = arith.constant 32 : index
        %swap3A_956 = tpu.vector_load %arg10[%swap3A_954, %swap3A_955] {strides = array<i32>} : memref<80x128xf32, #tpu.memory_space<vmem>>, vector<1x16xf32>,
        %swap3A_957 = vector.shape_cast %swap3A_956 : vector<1x16xf32> to vector<16xf32>
        %swap3A_958 = vector.shape_cast %mul3A_953 : vector<16xf32> to vector<1x16xf32>
        tpu.vector_store %arg10[%swap3A_954, %swap3A_955], %swap3A_958 {strides = array<i32>} : memref<80x128xf32, #tpu.memory_space<vmem>>, vector<1x16xf32>,
        %get3A_959 = arith.index_cast %add3A_925 : i32 to index
        %get3A_960 = arith.constant 48 : index
        %get3A_961 = tpu.vector_load %arg10[%get3A_959, %get3A_960] {strides = array<i32>} : memref<80x128xf32, #tpu.memory_space<vmem>>, vector<1x16xf32>,
        %get3A_962 = vector.shape_cast %get3A_961 : vector<1x16xf32> to vector<16xf32>
        %mul3A_963 = arith.mulf %get3A_962, %broadcast_in_dim3A_928 : vector<16xf32>
        %swap3A_964 = arith.index_cast %add3A_925 : i32 to index
        %swap3A_965 = arith.constant 48 : index
        %swap3A_966 = tpu.vector_load %arg10[%swap3A_964, %swap3A_965] {strides = array<i32>} : memref<80x128xf32, #tpu.memory_space<vmem>>, vector<1x16xf32>,
        %swap3A_967 = vector.shape_cast %swap3A_966 : vector<1x16xf32> to vector<16xf32>
        %swap3A_968 = vector.shape_cast %mul3A_963 : vector<16xf32> to vector<1x16xf32>
        tpu.vector_store %arg10[%swap3A_964, %swap3A_965], %swap3A_968 {strides = array<i32>} : memref<80x128xf32, #tpu.memory_space<vmem>>, vector<1x16xf32>,
        %get3A_969 = arith.index_cast %add3A_925 : i32 to index
        %get3A_970 = arith.constant 64 : index
        %get3A_971 = tpu.vector_load %arg10[%get3A_969, %get3A_970] {strides = array<i32>} : memref<80x128xf32, #tpu.memory_space<vmem>>, vector<1x16xf32>,
        %get3A_972 = vector.shape_cast %get3A_971 : vector<1x16xf32> to vector<16xf32>
        %mul3A_973 = arith.mulf %get3A_972, %broadcast_in_dim3A_928 : vector<16xf32>
        %swap3A_974 = arith.index_cast %add3A_925 : i32 to index
        %swap3A_975 = arith.constant 64 : index
        %swap3A_976 = tpu.vector_load %arg10[%swap3A_974, %swap3A_975] {strides = array<i32>} : memref<80x128xf32, #tpu.memory_space<vmem>>, vector<1x16xf32>,
        %swap3A_977 = vector.shape_cast %swap3A_976 : vector<1x16xf32> to vector<16xf32>
        %swap3A_978 = vector.shape_cast %mul3A_973 : vector<16xf32> to vector<1x16xf32>
        tpu.vector_store %arg10[%swap3A_974, %swap3A_975], %swap3A_978 {strides = array<i32>} : memref<80x128xf32, #tpu.memory_space<vmem>>, vector<1x16xf32>,
        %get3A_979 = arith.index_cast %add3A_925 : i32 to index
        %get3A_980 = arith.constant 80 : index
        %get3A_981 = tpu.vector_load %arg10[%get3A_979, %get3A_980] {strides = array<i32>} : memref<80x128xf32, #tpu.memory_space<vmem>>, vector<1x16xf32>,
        %get3A_982 = vector.shape_cast %get3A_981 : vector<1x16xf32> to vector<16xf32>
        %mul3A_983 = arith.mulf %get3A_982, %broadcast_in_dim3A_928 : vector<16xf32>
        %swap3A_984 = arith.index_cast %add3A_925 : i32 to index
        %swap3A_985 = arith.constant 80 : index
        %swap3A_986 = tpu.vector_load %arg10[%swap3A_984, %swap3A_985] {strides = array<i32>} : memref<80x128xf32, #tpu.memory_space<vmem>>, vector<1x16xf32>,
        %swap3A_987 = vector.shape_cast %swap3A_986 : vector<1x16xf32> to vector<16xf32>
        %swap3A_988 = vector.shape_cast %mul3A_983 : vector<16xf32> to vector<1x16xf32>
        tpu.vector_store %arg10[%swap3A_984, %swap3A_985], %swap3A_988 {strides = array<i32>} : memref<80x128xf32, #tpu.memory_space<vmem>>, vector<1x16xf32>,
        %get3A_989 = arith.index_cast %add3A_925 : i32 to index
        %get3A_990 = arith.constant 96 : index
        %get3A_991 = tpu.vector_load %arg10[%get3A_989, %get3A_990] {strides = array<i32>} : memref<80x128xf32, #tpu.memory_space<vmem>>, vector<1x16xf32>,
        %get3A_992 = vector.shape_cast %get3A_991 : vector<1x16xf32> to vector<16xf32>
        %mul3A_993 = arith.mulf %get3A_992, %broadcast_in_dim3A_928 : vector<16xf32>
        %swap3A_994 = arith.index_cast %add3A_925 : i32 to index
        %swap3A_995 = arith.constant 96 : index
        %swap3A_996 = tpu.vector_load %arg10[%swap3A_994, %swap3A_995] {strides = array<i32>} : memref<80x128xf32, #tpu.memory_space<vmem>>, vector<1x16xf32>,
        %swap3A_997 = vector.shape_cast %swap3A_996 : vector<1x16xf32> to vector<16xf32>
        %swap3A_998 = vector.shape_cast %mul3A_993 : vector<16xf32> to vector<1x16xf32>
        tpu.vector_store %arg10[%swap3A_994, %swap3A_995], %swap3A_998 {strides = array<i32>} : memref<80x128xf32, #tpu.memory_space<vmem>>, vector<1x16xf32>,
        %get3A_999 = arith.index_cast %add3A_925 : i32 to index
        %get3A_1000 = arith.constant 112 : index
        %get3A_1001 = tpu.vector_load %arg10[%get3A_999, %get3A_1000] {strides = array<i32>} : memref<80x128xf32, #tpu.memory_space<vmem>>, vector<1x16xf32>,
        %get3A_1002 = vector.shape_cast %get3A_1001 : vector<1x16xf32> to vector<16xf32>
        %mul3A_1003 = arith.mulf %get3A_1002, %broadcast_in_dim3A_928 : vector<16xf32>
        %swap3A_1004 = arith.index_cast %add3A_925 : i32 to index
        %swap3A_1005 = arith.constant 112 : index
        %swap3A_1006 = tpu.vector_load %arg10[%swap3A_1004, %swap3A_1005] {strides = array<i32>} : memref<80x128xf32, #tpu.memory_space<vmem>>, vector<1x16xf32>,
        %swap3A_1007 = vector.shape_cast %swap3A_1006 : vector<1x16xf32> to vector<16xf32>
        %swap3A_1008 = vector.shape_cast %mul3A_1003 : vector<16xf32> to vector<1x16xf32>
        tpu.vector_store %arg10[%swap3A_1004, %swap3A_1005], %swap3A_1008 {strides = array<i32>} : memref<80x128xf32, #tpu.memory_space<vmem>>, vector<1x16xf32>,
        %mul3A_1009 = arith.constant 16 : i32
        %mul3A_1010 = arith.muli %scan3A_50, %mul3A_1009 : i32
        %add3A_1011 = arith.constant 11 : i32
        %add3A_1012 = arith.addi %mul3A_1010, %add3A_1011 : i32
        %slice3A_1013 = vector.extract_strided_slice %get3A_55 {offsets = [11], sizes = [1], strides = [1]} : vector<16xf32> to vector<1xf32>
        %squeeze3A_1014 = vector.extract %slice3A_1013[0] : f32 from vector<1xf32>
        %broadcast_in_dim3A_1015 = vector.broadcast %squeeze3A_1014 : f32 to vector<16xf32>
        %get3A_1016 = arith.index_cast %add3A_1012 : i32 to index
        %get3A_1017 = arith.constant 0 : index
        %get3A_1018 = tpu.vector_load %arg10[%get3A_1016, %get3A_1017] {strides = array<i32>} : memref<80x128xf32, #tpu.memory_space<vmem>>, vector<1x16xf32>,
        %get3A_1019 = vector.shape_cast %get3A_1018 : vector<1x16xf32> to vector<16xf32>
        %mul3A_1020 = arith.mulf %get3A_1019, %broadcast_in_dim3A_1015 : vector<16xf32>
        %swap3A_1021 = arith.index_cast %add3A_1012 : i32 to index
        %swap3A_1022 = arith.constant 0 : index
        %swap3A_1023 = tpu.vector_load %arg10[%swap3A_1021, %swap3A_1022] {strides = array<i32>} : memref<80x128xf32, #tpu.memory_space<vmem>>, vector<1x16xf32>,
        %swap3A_1024 = vector.shape_cast %swap3A_1023 : vector<1x16xf32> to vector<16xf32>
        %swap3A_1025 = vector.shape_cast %mul3A_1020 : vector<16xf32> to vector<1x16xf32>
        tpu.vector_store %arg10[%swap3A_1021, %swap3A_1022], %swap3A_1025 {strides = array<i32>} : memref<80x128xf32, #tpu.memory_space<vmem>>, vector<1x16xf32>,
        %get3A_1026 = arith.index_cast %add3A_1012 : i32 to index
        %get3A_1027 = arith.constant 16 : index
        %get3A_1028 = tpu.vector_load %arg10[%get3A_1026, %get3A_1027] {strides = array<i32>} : memref<80x128xf32, #tpu.memory_space<vmem>>, vector<1x16xf32>,
        %get3A_1029 = vector.shape_cast %get3A_1028 : vector<1x16xf32> to vector<16xf32>
        %mul3A_1030 = arith.mulf %get3A_1029, %broadcast_in_dim3A_1015 : vector<16xf32>
        %swap3A_1031 = arith.index_cast %add3A_1012 : i32 to index
        %swap3A_1032 = arith.constant 16 : index
        %swap3A_1033 = tpu.vector_load %arg10[%swap3A_1031, %swap3A_1032] {strides = array<i32>} : memref<80x128xf32, #tpu.memory_space<vmem>>, vector<1x16xf32>,
        %swap3A_1034 = vector.shape_cast %swap3A_1033 : vector<1x16xf32> to vector<16xf32>
        %swap3A_1035 = vector.shape_cast %mul3A_1030 : vector<16xf32> to vector<1x16xf32>
        tpu.vector_store %arg10[%swap3A_1031, %swap3A_1032], %swap3A_1035 {strides = array<i32>} : memref<80x128xf32, #tpu.memory_space<vmem>>, vector<1x16xf32>,
        %get3A_1036 = arith.index_cast %add3A_1012 : i32 to index
        %get3A_1037 = arith.constant 32 : index
        %get3A_1038 = tpu.vector_load %arg10[%get3A_1036, %get3A_1037] {strides = array<i32>} : memref<80x128xf32, #tpu.memory_space<vmem>>, vector<1x16xf32>,
        %get3A_1039 = vector.shape_cast %get3A_1038 : vector<1x16xf32> to vector<16xf32>
        %mul3A_1040 = arith.mulf %get3A_1039, %broadcast_in_dim3A_1015 : vector<16xf32>
        %swap3A_1041 = arith.index_cast %add3A_1012 : i32 to index
        %swap3A_1042 = arith.constant 32 : index
        %swap3A_1043 = tpu.vector_load %arg10[%swap3A_1041, %swap3A_1042] {strides = array<i32>} : memref<80x128xf32, #tpu.memory_space<vmem>>, vector<1x16xf32>,
        %swap3A_1044 = vector.shape_cast %swap3A_1043 : vector<1x16xf32> to vector<16xf32>
        %swap3A_1045 = vector.shape_cast %mul3A_1040 : vector<16xf32> to vector<1x16xf32>
        tpu.vector_store %arg10[%swap3A_1041, %swap3A_1042], %swap3A_1045 {strides = array<i32>} : memref<80x128xf32, #tpu.memory_space<vmem>>, vector<1x16xf32>,
        %get3A_1046 = arith.index_cast %add3A_1012 : i32 to index
        %get3A_1047 = arith.constant 48 : index
        %get3A_1048 = tpu.vector_load %arg10[%get3A_1046, %get3A_1047] {strides = array<i32>} : memref<80x128xf32, #tpu.memory_space<vmem>>, vector<1x16xf32>,
        %get3A_1049 = vector.shape_cast %get3A_1048 : vector<1x16xf32> to vector<16xf32>
        %mul3A_1050 = arith.mulf %get3A_1049, %broadcast_in_dim3A_1015 : vector<16xf32>
        %swap3A_1051 = arith.index_cast %add3A_1012 : i32 to index
        %swap3A_1052 = arith.constant 48 : index
        %swap3A_1053 = tpu.vector_load %arg10[%swap3A_1051, %swap3A_1052] {strides = array<i32>} : memref<80x128xf32, #tpu.memory_space<vmem>>, vector<1x16xf32>,
        %swap3A_1054 = vector.shape_cast %swap3A_1053 : vector<1x16xf32> to vector<16xf32>
        %swap3A_1055 = vector.shape_cast %mul3A_1050 : vector<16xf32> to vector<1x16xf32>
        tpu.vector_store %arg10[%swap3A_1051, %swap3A_1052], %swap3A_1055 {strides = array<i32>} : memref<80x128xf32, #tpu.memory_space<vmem>>, vector<1x16xf32>,
        %get3A_1056 = arith.index_cast %add3A_1012 : i32 to index
        %get3A_1057 = arith.constant 64 : index
        %get3A_1058 = tpu.vector_load %arg10[%get3A_1056, %get3A_1057] {strides = array<i32>} : memref<80x128xf32, #tpu.memory_space<vmem>>, vector<1x16xf32>,
        %get3A_1059 = vector.shape_cast %get3A_1058 : vector<1x16xf32> to vector<16xf32>
        %mul3A_1060 = arith.mulf %get3A_1059, %broadcast_in_dim3A_1015 : vector<16xf32>
        %swap3A_1061 = arith.index_cast %add3A_1012 : i32 to index
        %swap3A_1062 = arith.constant 64 : index
        %swap3A_1063 = tpu.vector_load %arg10[%swap3A_1061, %swap3A_1062] {strides = array<i32>} : memref<80x128xf32, #tpu.memory_space<vmem>>, vector<1x16xf32>,
        %swap3A_1064 = vector.shape_cast %swap3A_1063 : vector<1x16xf32> to vector<16xf32>
        %swap3A_1065 = vector.shape_cast %mul3A_1060 : vector<16xf32> to vector<1x16xf32>
        tpu.vector_store %arg10[%swap3A_1061, %swap3A_1062], %swap3A_1065 {strides = array<i32>} : memref<80x128xf32, #tpu.memory_space<vmem>>, vector<1x16xf32>,
        %get3A_1066 = arith.index_cast %add3A_1012 : i32 to index
        %get3A_1067 = arith.constant 80 : index
        %get3A_1068 = tpu.vector_load %arg10[%get3A_1066, %get3A_1067] {strides = array<i32>} : memref<80x128xf32, #tpu.memory_space<vmem>>, vector<1x16xf32>,
        %get3A_1069 = vector.shape_cast %get3A_1068 : vector<1x16xf32> to vector<16xf32>
        %mul3A_1070 = arith.mulf %get3A_1069, %broadcast_in_dim3A_1015 : vector<16xf32>
        %swap3A_1071 = arith.index_cast %add3A_1012 : i32 to index
        %swap3A_1072 = arith.constant 80 : index
        %swap3A_1073 = tpu.vector_load %arg10[%swap3A_1071, %swap3A_1072] {strides = array<i32>} : memref<80x128xf32, #tpu.memory_space<vmem>>, vector<1x16xf32>,
        %swap3A_1074 = vector.shape_cast %swap3A_1073 : vector<1x16xf32> to vector<16xf32>
        %swap3A_1075 = vector.shape_cast %mul3A_1070 : vector<16xf32> to vector<1x16xf32>
        tpu.vector_store %arg10[%swap3A_1071, %swap3A_1072], %swap3A_1075 {strides = array<i32>} : memref<80x128xf32, #tpu.memory_space<vmem>>, vector<1x16xf32>,
        %get3A_1076 = arith.index_cast %add3A_1012 : i32 to index
        %get3A_1077 = arith.constant 96 : index
        %get3A_1078 = tpu.vector_load %arg10[%get3A_1076, %get3A_1077] {strides = array<i32>} : memref<80x128xf32, #tpu.memory_space<vmem>>, vector<1x16xf32>,
        %get3A_1079 = vector.shape_cast %get3A_1078 : vector<1x16xf32> to vector<16xf32>
        %mul3A_1080 = arith.mulf %get3A_1079, %broadcast_in_dim3A_1015 : vector<16xf32>
        %swap3A_1081 = arith.index_cast %add3A_1012 : i32 to index
        %swap3A_1082 = arith.constant 96 : index
        %swap3A_1083 = tpu.vector_load %arg10[%swap3A_1081, %swap3A_1082] {strides = array<i32>} : memref<80x128xf32, #tpu.memory_space<vmem>>, vector<1x16xf32>,
        %swap3A_1084 = vector.shape_cast %swap3A_1083 : vector<1x16xf32> to vector<16xf32>
        %swap3A_1085 = vector.shape_cast %mul3A_1080 : vector<16xf32> to vector<1x16xf32>
        tpu.vector_store %arg10[%swap3A_1081, %swap3A_1082], %swap3A_1085 {strides = array<i32>} : memref<80x128xf32, #tpu.memory_space<vmem>>, vector<1x16xf32>,
        %get3A_1086 = arith.index_cast %add3A_1012 : i32 to index
        %get3A_1087 = arith.constant 112 : index
        %get3A_1088 = tpu.vector_load %arg10[%get3A_1086, %get3A_1087] {strides = array<i32>} : memref<80x128xf32, #tpu.memory_space<vmem>>, vector<1x16xf32>,
        %get3A_1089 = vector.shape_cast %get3A_1088 : vector<1x16xf32> to vector<16xf32>
        %mul3A_1090 = arith.mulf %get3A_1089, %broadcast_in_dim3A_1015 : vector<16xf32>
        %swap3A_1091 = arith.index_cast %add3A_1012 : i32 to index
        %swap3A_1092 = arith.constant 112 : index
        %swap3A_1093 = tpu.vector_load %arg10[%swap3A_1091, %swap3A_1092] {strides = array<i32>} : memref<80x128xf32, #tpu.memory_space<vmem>>, vector<1x16xf32>,
        %swap3A_1094 = vector.shape_cast %swap3A_1093 : vector<1x16xf32> to vector<16xf32>
        %swap3A_1095 = vector.shape_cast %mul3A_1090 : vector<16xf32> to vector<1x16xf32>
        tpu.vector_store %arg10[%swap3A_1091, %swap3A_1092], %swap3A_1095 {strides = array<i32>} : memref<80x128xf32, #tpu.memory_space<vmem>>, vector<1x16xf32>,
        %mul3A_1096 = arith.constant 16 : i32
        %mul3A_1097 = arith.muli %scan3A_50, %mul3A_1096 : i32
        %add3A_1098 = arith.constant 12 : i32
        %add3A_1099 = arith.addi %mul3A_1097, %add3A_1098 : i32
        %slice3A_1100 = vector.extract_strided_slice %get3A_55 {offsets = [12], sizes = [1], strides = [1]} : vector<16xf32> to vector<1xf32>
        %squeeze3A_1101 = vector.extract %slice3A_1100[0] : f32 from vector<1xf32>
        %broadcast_in_dim3A_1102 = vector.broadcast %squeeze3A_1101 : f32 to vector<16xf32>
        %get3A_1103 = arith.index_cast %add3A_1099 : i32 to index
        %get3A_1104 = arith.constant 0 : index
        %get3A_1105 = tpu.vector_load %arg10[%get3A_1103, %get3A_1104] {strides = array<i32>} : memref<80x128xf32, #tpu.memory_space<vmem>>, vector<1x16xf32>,
        %get3A_1106 = vector.shape_cast %get3A_1105 : vector<1x16xf32> to vector<16xf32>
        %mul3A_1107 = arith.mulf %get3A_1106, %broadcast_in_dim3A_1102 : vector<16xf32>
        %swap3A_1108 = arith.index_cast %add3A_1099 : i32 to index
        %swap3A_1109 = arith.constant 0 : index
        %swap3A_1110 = tpu.vector_load %arg10[%swap3A_1108, %swap3A_1109] {strides = array<i32>} : memref<80x128xf32, #tpu.memory_space<vmem>>, vector<1x16xf32>,
        %swap3A_1111 = vector.shape_cast %swap3A_1110 : vector<1x16xf32> to vector<16xf32>
        %swap3A_1112 = vector.shape_cast %mul3A_1107 : vector<16xf32> to vector<1x16xf32>
        tpu.vector_store %arg10[%swap3A_1108, %swap3A_1109], %swap3A_1112 {strides = array<i32>} : memref<80x128xf32, #tpu.memory_space<vmem>>, vector<1x16xf32>,
        %get3A_1113 = arith.index_cast %add3A_1099 : i32 to index
        %get3A_1114 = arith.constant 16 : index
        %get3A_1115 = tpu.vector_load %arg10[%get3A_1113, %get3A_1114] {strides = array<i32>} : memref<80x128xf32, #tpu.memory_space<vmem>>, vector<1x16xf32>,
        %get3A_1116 = vector.shape_cast %get3A_1115 : vector<1x16xf32> to vector<16xf32>
        %mul3A_1117 = arith.mulf %get3A_1116, %broadcast_in_dim3A_1102 : vector<16xf32>
        %swap3A_1118 = arith.index_cast %add3A_1099 : i32 to index
        %swap3A_1119 = arith.constant 16 : index
        %swap3A_1120 = tpu.vector_load %arg10[%swap3A_1118, %swap3A_1119] {strides = array<i32>} : memref<80x128xf32, #tpu.memory_space<vmem>>, vector<1x16xf32>,
        %swap3A_1121 = vector.shape_cast %swap3A_1120 : vector<1x16xf32> to vector<16xf32>
        %swap3A_1122 = vector.shape_cast %mul3A_1117 : vector<16xf32> to vector<1x16xf32>
        tpu.vector_store %arg10[%swap3A_1118, %swap3A_1119], %swap3A_1122 {strides = array<i32>} : memref<80x128xf32, #tpu.memory_space<vmem>>, vector<1x16xf32>,
        %get3A_1123 = arith.index_cast %add3A_1099 : i32 to index
        %get3A_1124 = arith.constant 32 : index
        %get3A_1125 = tpu.vector_load %arg10[%get3A_1123, %get3A_1124] {strides = array<i32>} : memref<80x128xf32, #tpu.memory_space<vmem>>, vector<1x16xf32>,
        %get3A_1126 = vector.shape_cast %get3A_1125 : vector<1x16xf32> to vector<16xf32>
        %mul3A_1127 = arith.mulf %get3A_1126, %broadcast_in_dim3A_1102 : vector<16xf32>
        %swap3A_1128 = arith.index_cast %add3A_1099 : i32 to index
        %swap3A_1129 = arith.constant 32 : index
        %swap3A_1130 = tpu.vector_load %arg10[%swap3A_1128, %swap3A_1129] {strides = array<i32>} : memref<80x128xf32, #tpu.memory_space<vmem>>, vector<1x16xf32>,
        %swap3A_1131 = vector.shape_cast %swap3A_1130 : vector<1x16xf32> to vector<16xf32>
        %swap3A_1132 = vector.shape_cast %mul3A_1127 : vector<16xf32> to vector<1x16xf32>
        tpu.vector_store %arg10[%swap3A_1128, %swap3A_1129], %swap3A_1132 {strides = array<i32>} : memref<80x128xf32, #tpu.memory_space<vmem>>, vector<1x16xf32>,
        %get3A_1133 = arith.index_cast %add3A_1099 : i32 to index
        %get3A_1134 = arith.constant 48 : index
        %get3A_1135 = tpu.vector_load %arg10[%get3A_1133, %get3A_1134] {strides = array<i32>} : memref<80x128xf32, #tpu.memory_space<vmem>>, vector<1x16xf32>,
        %get3A_1136 = vector.shape_cast %get3A_1135 : vector<1x16xf32> to vector<16xf32>
        %mul3A_1137 = arith.mulf %get3A_1136, %broadcast_in_dim3A_1102 : vector<16xf32>
        %swap3A_1138 = arith.index_cast %add3A_1099 : i32 to index
        %swap3A_1139 = arith.constant 48 : index
        %swap3A_1140 = tpu.vector_load %arg10[%swap3A_1138, %swap3A_1139] {strides = array<i32>} : memref<80x128xf32, #tpu.memory_space<vmem>>, vector<1x16xf32>,
        %swap3A_1141 = vector.shape_cast %swap3A_1140 : vector<1x16xf32> to vector<16xf32>
        %swap3A_1142 = vector.shape_cast %mul3A_1137 : vector<16xf32> to vector<1x16xf32>
        tpu.vector_store %arg10[%swap3A_1138, %swap3A_1139], %swap3A_1142 {strides = array<i32>} : memref<80x128xf32, #tpu.memory_space<vmem>>, vector<1x16xf32>,
        %get3A_1143 = arith.index_cast %add3A_1099 : i32 to index
        %get3A_1144 = arith.constant 64 : index
        %get3A_1145 = tpu.vector_load %arg10[%get3A_1143, %get3A_1144] {strides = array<i32>} : memref<80x128xf32, #tpu.memory_space<vmem>>, vector<1x16xf32>,
        %get3A_1146 = vector.shape_cast %get3A_1145 : vector<1x16xf32> to vector<16xf32>
        %mul3A_1147 = arith.mulf %get3A_1146, %broadcast_in_dim3A_1102 : vector<16xf32>
        %swap3A_1148 = arith.index_cast %add3A_1099 : i32 to index
        %swap3A_1149 = arith.constant 64 : index
        %swap3A_1150 = tpu.vector_load %arg10[%swap3A_1148, %swap3A_1149] {strides = array<i32>} : memref<80x128xf32, #tpu.memory_space<vmem>>, vector<1x16xf32>,
        %swap3A_1151 = vector.shape_cast %swap3A_1150 : vector<1x16xf32> to vector<16xf32>
        %swap3A_1152 = vector.shape_cast %mul3A_1147 : vector<16xf32> to vector<1x16xf32>
        tpu.vector_store %arg10[%swap3A_1148, %swap3A_1149], %swap3A_1152 {strides = array<i32>} : memref<80x128xf32, #tpu.memory_space<vmem>>, vector<1x16xf32>,
        %get3A_1153 = arith.index_cast %add3A_1099 : i32 to index
        %get3A_1154 = arith.constant 80 : index
        %get3A_1155 = tpu.vector_load %arg10[%get3A_1153, %get3A_1154] {strides = array<i32>} : memref<80x128xf32, #tpu.memory_space<vmem>>, vector<1x16xf32>,
        %get3A_1156 = vector.shape_cast %get3A_1155 : vector<1x16xf32> to vector<16xf32>
        %mul3A_1157 = arith.mulf %get3A_1156, %broadcast_in_dim3A_1102 : vector<16xf32>
        %swap3A_1158 = arith.index_cast %add3A_1099 : i32 to index
        %swap3A_1159 = arith.constant 80 : index
        %swap3A_1160 = tpu.vector_load %arg10[%swap3A_1158, %swap3A_1159] {strides = array<i32>} : memref<80x128xf32, #tpu.memory_space<vmem>>, vector<1x16xf32>,
        %swap3A_1161 = vector.shape_cast %swap3A_1160 : vector<1x16xf32> to vector<16xf32>
        %swap3A_1162 = vector.shape_cast %mul3A_1157 : vector<16xf32> to vector<1x16xf32>
        tpu.vector_store %arg10[%swap3A_1158, %swap3A_1159], %swap3A_1162 {strides = array<i32>} : memref<80x128xf32, #tpu.memory_space<vmem>>, vector<1x16xf32>,
        %get3A_1163 = arith.index_cast %add3A_1099 : i32 to index
        %get3A_1164 = arith.constant 96 : index
        %get3A_1165 = tpu.vector_load %arg10[%get3A_1163, %get3A_1164] {strides = array<i32>} : memref<80x128xf32, #tpu.memory_space<vmem>>, vector<1x16xf32>,
        %get3A_1166 = vector.shape_cast %get3A_1165 : vector<1x16xf32> to vector<16xf32>
        %mul3A_1167 = arith.mulf %get3A_1166, %broadcast_in_dim3A_1102 : vector<16xf32>
        %swap3A_1168 = arith.index_cast %add3A_1099 : i32 to index
        %swap3A_1169 = arith.constant 96 : index
        %swap3A_1170 = tpu.vector_load %arg10[%swap3A_1168, %swap3A_1169] {strides = array<i32>} : memref<80x128xf32, #tpu.memory_space<vmem>>, vector<1x16xf32>,
        %swap3A_1171 = vector.shape_cast %swap3A_1170 : vector<1x16xf32> to vector<16xf32>
        %swap3A_1172 = vector.shape_cast %mul3A_1167 : vector<16xf32> to vector<1x16xf32>
        tpu.vector_store %arg10[%swap3A_1168, %swap3A_1169], %swap3A_1172 {strides = array<i32>} : memref<80x128xf32, #tpu.memory_space<vmem>>, vector<1x16xf32>,
        %get3A_1173 = arith.index_cast %add3A_1099 : i32 to index
        %get3A_1174 = arith.constant 112 : index
        %get3A_1175 = tpu.vector_load %arg10[%get3A_1173, %get3A_1174] {strides = array<i32>} : memref<80x128xf32, #tpu.memory_space<vmem>>, vector<1x16xf32>,
        %get3A_1176 = vector.shape_cast %get3A_1175 : vector<1x16xf32> to vector<16xf32>
        %mul3A_1177 = arith.mulf %get3A_1176, %broadcast_in_dim3A_1102 : vector<16xf32>
        %swap3A_1178 = arith.index_cast %add3A_1099 : i32 to index
        %swap3A_1179 = arith.constant 112 : index
        %swap3A_1180 = tpu.vector_load %arg10[%swap3A_1178, %swap3A_1179] {strides = array<i32>} : memref<80x128xf32, #tpu.memory_space<vmem>>, vector<1x16xf32>,
        %swap3A_1181 = vector.shape_cast %swap3A_1180 : vector<1x16xf32> to vector<16xf32>
        %swap3A_1182 = vector.shape_cast %mul3A_1177 : vector<16xf32> to vector<1x16xf32>
        tpu.vector_store %arg10[%swap3A_1178, %swap3A_1179], %swap3A_1182 {strides = array<i32>} : memref<80x128xf32, #tpu.memory_space<vmem>>, vector<1x16xf32>,
        %mul3A_1183 = arith.constant 16 : i32
        %mul3A_1184 = arith.muli %scan3A_50, %mul3A_1183 : i32
        %add3A_1185 = arith.constant 13 : i32
        %add3A_1186 = arith.addi %mul3A_1184, %add3A_1185 : i32
        %slice3A_1187 = vector.extract_strided_slice %get3A_55 {offsets = [13], sizes = [1], strides = [1]} : vector<16xf32> to vector<1xf32>
        %squeeze3A_1188 = vector.extract %slice3A_1187[0] : f32 from vector<1xf32>
        %broadcast_in_dim3A_1189 = vector.broadcast %squeeze3A_1188 : f32 to vector<16xf32>
        %get3A_1190 = arith.index_cast %add3A_1186 : i32 to index
        %get3A_1191 = arith.constant 0 : index
        %get3A_1192 = tpu.vector_load %arg10[%get3A_1190, %get3A_1191] {strides = array<i32>} : memref<80x128xf32, #tpu.memory_space<vmem>>, vector<1x16xf32>,
        %get3A_1193 = vector.shape_cast %get3A_1192 : vector<1x16xf32> to vector<16xf32>
        %mul3A_1194 = arith.mulf %get3A_1193, %broadcast_in_dim3A_1189 : vector<16xf32>
        %swap3A_1195 = arith.index_cast %add3A_1186 : i32 to index
        %swap3A_1196 = arith.constant 0 : index
        %swap3A_1197 = tpu.vector_load %arg10[%swap3A_1195, %swap3A_1196] {strides = array<i32>} : memref<80x128xf32, #tpu.memory_space<vmem>>, vector<1x16xf32>,
        %swap3A_1198 = vector.shape_cast %swap3A_1197 : vector<1x16xf32> to vector<16xf32>
        %swap3A_1199 = vector.shape_cast %mul3A_1194 : vector<16xf32> to vector<1x16xf32>
        tpu.vector_store %arg10[%swap3A_1195, %swap3A_1196], %swap3A_1199 {strides = array<i32>} : memref<80x128xf32, #tpu.memory_space<vmem>>, vector<1x16xf32>,
        %get3A_1200 = arith.index_cast %add3A_1186 : i32 to index
        %get3A_1201 = arith.constant 16 : index
        %get3A_1202 = tpu.vector_load %arg10[%get3A_1200, %get3A_1201] {strides = array<i32>} : memref<80x128xf32, #tpu.memory_space<vmem>>, vector<1x16xf32>,
        %get3A_1203 = vector.shape_cast %get3A_1202 : vector<1x16xf32> to vector<16xf32>
        %mul3A_1204 = arith.mulf %get3A_1203, %broadcast_in_dim3A_1189 : vector<16xf32>
        %swap3A_1205 = arith.index_cast %add3A_1186 : i32 to index
        %swap3A_1206 = arith.constant 16 : index
        %swap3A_1207 = tpu.vector_load %arg10[%swap3A_1205, %swap3A_1206] {strides = array<i32>} : memref<80x128xf32, #tpu.memory_space<vmem>>, vector<1x16xf32>,
        %swap3A_1208 = vector.shape_cast %swap3A_1207 : vector<1x16xf32> to vector<16xf32>
        %swap3A_1209 = vector.shape_cast %mul3A_1204 : vector<16xf32> to vector<1x16xf32>
        tpu.vector_store %arg10[%swap3A_1205, %swap3A_1206], %swap3A_1209 {strides = array<i32>} : memref<80x128xf32, #tpu.memory_space<vmem>>, vector<1x16xf32>,
        %get3A_1210 = arith.index_cast %add3A_1186 : i32 to index
        %get3A_1211 = arith.constant 32 : index
        %get3A_1212 = tpu.vector_load %arg10[%get3A_1210, %get3A_1211] {strides = array<i32>} : memref<80x128xf32, #tpu.memory_space<vmem>>, vector<1x16xf32>,
        %get3A_1213 = vector.shape_cast %get3A_1212 : vector<1x16xf32> to vector<16xf32>
        %mul3A_1214 = arith.mulf %get3A_1213, %broadcast_in_dim3A_1189 : vector<16xf32>
        %swap3A_1215 = arith.index_cast %add3A_1186 : i32 to index
        %swap3A_1216 = arith.constant 32 : index
        %swap3A_1217 = tpu.vector_load %arg10[%swap3A_1215, %swap3A_1216] {strides = array<i32>} : memref<80x128xf32, #tpu.memory_space<vmem>>, vector<1x16xf32>,
        %swap3A_1218 = vector.shape_cast %swap3A_1217 : vector<1x16xf32> to vector<16xf32>
        %swap3A_1219 = vector.shape_cast %mul3A_1214 : vector<16xf32> to vector<1x16xf32>
        tpu.vector_store %arg10[%swap3A_1215, %swap3A_1216], %swap3A_1219 {strides = array<i32>} : memref<80x128xf32, #tpu.memory_space<vmem>>, vector<1x16xf32>,
        %get3A_1220 = arith.index_cast %add3A_1186 : i32 to index
        %get3A_1221 = arith.constant 48 : index
        %get3A_1222 = tpu.vector_load %arg10[%get3A_1220, %get3A_1221] {strides = array<i32>} : memref<80x128xf32, #tpu.memory_space<vmem>>, vector<1x16xf32>,
        %get3A_1223 = vector.shape_cast %get3A_1222 : vector<1x16xf32> to vector<16xf32>
        %mul3A_1224 = arith.mulf %get3A_1223, %broadcast_in_dim3A_1189 : vector<16xf32>
        %swap3A_1225 = arith.index_cast %add3A_1186 : i32 to index
        %swap3A_1226 = arith.constant 48 : index
        %swap3A_1227 = tpu.vector_load %arg10[%swap3A_1225, %swap3A_1226] {strides = array<i32>} : memref<80x128xf32, #tpu.memory_space<vmem>>, vector<1x16xf32>,
        %swap3A_1228 = vector.shape_cast %swap3A_1227 : vector<1x16xf32> to vector<16xf32>
        %swap3A_1229 = vector.shape_cast %mul3A_1224 : vector<16xf32> to vector<1x16xf32>
        tpu.vector_store %arg10[%swap3A_1225, %swap3A_1226], %swap3A_1229 {strides = array<i32>} : memref<80x128xf32, #tpu.memory_space<vmem>>, vector<1x16xf32>,
        %get3A_1230 = arith.index_cast %add3A_1186 : i32 to index
        %get3A_1231 = arith.constant 64 : index
        %get3A_1232 = tpu.vector_load %arg10[%get3A_1230, %get3A_1231] {strides = array<i32>} : memref<80x128xf32, #tpu.memory_space<vmem>>, vector<1x16xf32>,
        %get3A_1233 = vector.shape_cast %get3A_1232 : vector<1x16xf32> to vector<16xf32>
        %mul3A_1234 = arith.mulf %get3A_1233, %broadcast_in_dim3A_1189 : vector<16xf32>
        %swap3A_1235 = arith.index_cast %add3A_1186 : i32 to index
        %swap3A_1236 = arith.constant 64 : index
        %swap3A_1237 = tpu.vector_load %arg10[%swap3A_1235, %swap3A_1236] {strides = array<i32>} : memref<80x128xf32, #tpu.memory_space<vmem>>, vector<1x16xf32>,
        %swap3A_1238 = vector.shape_cast %swap3A_1237 : vector<1x16xf32> to vector<16xf32>
        %swap3A_1239 = vector.shape_cast %mul3A_1234 : vector<16xf32> to vector<1x16xf32>
        tpu.vector_store %arg10[%swap3A_1235, %swap3A_1236], %swap3A_1239 {strides = array<i32>} : memref<80x128xf32, #tpu.memory_space<vmem>>, vector<1x16xf32>,
        %get3A_1240 = arith.index_cast %add3A_1186 : i32 to index
        %get3A_1241 = arith.constant 80 : index
        %get3A_1242 = tpu.vector_load %arg10[%get3A_1240, %get3A_1241] {strides = array<i32>} : memref<80x128xf32, #tpu.memory_space<vmem>>, vector<1x16xf32>,
        %get3A_1243 = vector.shape_cast %get3A_1242 : vector<1x16xf32> to vector<16xf32>
        %mul3A_1244 = arith.mulf %get3A_1243, %broadcast_in_dim3A_1189 : vector<16xf32>
        %swap3A_1245 = arith.index_cast %add3A_1186 : i32 to index
        %swap3A_1246 = arith.constant 80 : index
        %swap3A_1247 = tpu.vector_load %arg10[%swap3A_1245, %swap3A_1246] {strides = array<i32>} : memref<80x128xf32, #tpu.memory_space<vmem>>, vector<1x16xf32>,
        %swap3A_1248 = vector.shape_cast %swap3A_1247 : vector<1x16xf32> to vector<16xf32>
        %swap3A_1249 = vector.shape_cast %mul3A_1244 : vector<16xf32> to vector<1x16xf32>
        tpu.vector_store %arg10[%swap3A_1245, %swap3A_1246], %swap3A_1249 {strides = array<i32>} : memref<80x128xf32, #tpu.memory_space<vmem>>, vector<1x16xf32>,
        %get3A_1250 = arith.index_cast %add3A_1186 : i32 to index
        %get3A_1251 = arith.constant 96 : index
        %get3A_1252 = tpu.vector_load %arg10[%get3A_1250, %get3A_1251] {strides = array<i32>} : memref<80x128xf32, #tpu.memory_space<vmem>>, vector<1x16xf32>,
        %get3A_1253 = vector.shape_cast %get3A_1252 : vector<1x16xf32> to vector<16xf32>
        %mul3A_1254 = arith.mulf %get3A_1253, %broadcast_in_dim3A_1189 : vector<16xf32>
        %swap3A_1255 = arith.index_cast %add3A_1186 : i32 to index
        %swap3A_1256 = arith.constant 96 : index
        %swap3A_1257 = tpu.vector_load %arg10[%swap3A_1255, %swap3A_1256] {strides = array<i32>} : memref<80x128xf32, #tpu.memory_space<vmem>>, vector<1x16xf32>,
        %swap3A_1258 = vector.shape_cast %swap3A_1257 : vector<1x16xf32> to vector<16xf32>
        %swap3A_1259 = vector.shape_cast %mul3A_1254 : vector<16xf32> to vector<1x16xf32>
        tpu.vector_store %arg10[%swap3A_1255, %swap3A_1256], %swap3A_1259 {strides = array<i32>} : memref<80x128xf32, #tpu.memory_space<vmem>>, vector<1x16xf32>,
        %get3A_1260 = arith.index_cast %add3A_1186 : i32 to index
        %get3A_1261 = arith.constant 112 : index
        %get3A_1262 = tpu.vector_load %arg10[%get3A_1260, %get3A_1261] {strides = array<i32>} : memref<80x128xf32, #tpu.memory_space<vmem>>, vector<1x16xf32>,
        %get3A_1263 = vector.shape_cast %get3A_1262 : vector<1x16xf32> to vector<16xf32>
        %mul3A_1264 = arith.mulf %get3A_1263, %broadcast_in_dim3A_1189 : vector<16xf32>
        %swap3A_1265 = arith.index_cast %add3A_1186 : i32 to index
        %swap3A_1266 = arith.constant 112 : index
        %swap3A_1267 = tpu.vector_load %arg10[%swap3A_1265, %swap3A_1266] {strides = array<i32>} : memref<80x128xf32, #tpu.memory_space<vmem>>, vector<1x16xf32>,
        %swap3A_1268 = vector.shape_cast %swap3A_1267 : vector<1x16xf32> to vector<16xf32>
        %swap3A_1269 = vector.shape_cast %mul3A_1264 : vector<16xf32> to vector<1x16xf32>
        tpu.vector_store %arg10[%swap3A_1265, %swap3A_1266], %swap3A_1269 {strides = array<i32>} : memref<80x128xf32, #tpu.memory_space<vmem>>, vector<1x16xf32>,
        %mul3A_1270 = arith.constant 16 : i32
        %mul3A_1271 = arith.muli %scan3A_50, %mul3A_1270 : i32
        %add3A_1272 = arith.constant 14 : i32
        %add3A_1273 = arith.addi %mul3A_1271, %add3A_1272 : i32
        %slice3A_1274 = vector.extract_strided_slice %get3A_55 {offsets = [14], sizes = [1], strides = [1]} : vector<16xf32> to vector<1xf32>
        %squeeze3A_1275 = vector.extract %slice3A_1274[0] : f32 from vector<1xf32>
        %broadcast_in_dim3A_1276 = vector.broadcast %squeeze3A_1275 : f32 to vector<16xf32>
        %get3A_1277 = arith.index_cast %add3A_1273 : i32 to index
        %get3A_1278 = arith.constant 0 : index
        %get3A_1279 = tpu.vector_load %arg10[%get3A_1277, %get3A_1278] {strides = array<i32>} : memref<80x128xf32, #tpu.memory_space<vmem>>, vector<1x16xf32>,
        %get3A_1280 = vector.shape_cast %get3A_1279 : vector<1x16xf32> to vector<16xf32>
        %mul3A_1281 = arith.mulf %get3A_1280, %broadcast_in_dim3A_1276 : vector<16xf32>
        %swap3A_1282 = arith.index_cast %add3A_1273 : i32 to index
        %swap3A_1283 = arith.constant 0 : index
        %swap3A_1284 = tpu.vector_load %arg10[%swap3A_1282, %swap3A_1283] {strides = array<i32>} : memref<80x128xf32, #tpu.memory_space<vmem>>, vector<1x16xf32>,
        %swap3A_1285 = vector.shape_cast %swap3A_1284 : vector<1x16xf32> to vector<16xf32>
        %swap3A_1286 = vector.shape_cast %mul3A_1281 : vector<16xf32> to vector<1x16xf32>
        tpu.vector_store %arg10[%swap3A_1282, %swap3A_1283], %swap3A_1286 {strides = array<i32>} : memref<80x128xf32, #tpu.memory_space<vmem>>, vector<1x16xf32>,
        %get3A_1287 = arith.index_cast %add3A_1273 : i32 to index
        %get3A_1288 = arith.constant 16 : index
        %get3A_1289 = tpu.vector_load %arg10[%get3A_1287, %get3A_1288] {strides = array<i32>} : memref<80x128xf32, #tpu.memory_space<vmem>>, vector<1x16xf32>,
        %get3A_1290 = vector.shape_cast %get3A_1289 : vector<1x16xf32> to vector<16xf32>
        %mul3A_1291 = arith.mulf %get3A_1290, %broadcast_in_dim3A_1276 : vector<16xf32>
        %swap3A_1292 = arith.index_cast %add3A_1273 : i32 to index
        %swap3A_1293 = arith.constant 16 : index
        %swap3A_1294 = tpu.vector_load %arg10[%swap3A_1292, %swap3A_1293] {strides = array<i32>} : memref<80x128xf32, #tpu.memory_space<vmem>>, vector<1x16xf32>,
        %swap3A_1295 = vector.shape_cast %swap3A_1294 : vector<1x16xf32> to vector<16xf32>
        %swap3A_1296 = vector.shape_cast %mul3A_1291 : vector<16xf32> to vector<1x16xf32>
        tpu.vector_store %arg10[%swap3A_1292, %swap3A_1293], %swap3A_1296 {strides = array<i32>} : memref<80x128xf32, #tpu.memory_space<vmem>>, vector<1x16xf32>,
        %get3A_1297 = arith.index_cast %add3A_1273 : i32 to index
        %get3A_1298 = arith.constant 32 : index
        %get3A_1299 = tpu.vector_load %arg10[%get3A_1297, %get3A_1298] {strides = array<i32>} : memref<80x128xf32, #tpu.memory_space<vmem>>, vector<1x16xf32>,
        %get3A_1300 = vector.shape_cast %get3A_1299 : vector<1x16xf32> to vector<16xf32>
        %mul3A_1301 = arith.mulf %get3A_1300, %broadcast_in_dim3A_1276 : vector<16xf32>
        %swap3A_1302 = arith.index_cast %add3A_1273 : i32 to index
        %swap3A_1303 = arith.constant 32 : index
        %swap3A_1304 = tpu.vector_load %arg10[%swap3A_1302, %swap3A_1303] {strides = array<i32>} : memref<80x128xf32, #tpu.memory_space<vmem>>, vector<1x16xf32>,
        %swap3A_1305 = vector.shape_cast %swap3A_1304 : vector<1x16xf32> to vector<16xf32>
        %swap3A_1306 = vector.shape_cast %mul3A_1301 : vector<16xf32> to vector<1x16xf32>
        tpu.vector_store %arg10[%swap3A_1302, %swap3A_1303], %swap3A_1306 {strides = array<i32>} : memref<80x128xf32, #tpu.memory_space<vmem>>, vector<1x16xf32>,
        %get3A_1307 = arith.index_cast %add3A_1273 : i32 to index
        %get3A_1308 = arith.constant 48 : index
        %get3A_1309 = tpu.vector_load %arg10[%get3A_1307, %get3A_1308] {strides = array<i32>} : memref<80x128xf32, #tpu.memory_space<vmem>>, vector<1x16xf32>,
        %get3A_1310 = vector.shape_cast %get3A_1309 : vector<1x16xf32> to vector<16xf32>
        %mul3A_1311 = arith.mulf %get3A_1310, %broadcast_in_dim3A_1276 : vector<16xf32>
        %swap3A_1312 = arith.index_cast %add3A_1273 : i32 to index
        %swap3A_1313 = arith.constant 48 : index
        %swap3A_1314 = tpu.vector_load %arg10[%swap3A_1312, %swap3A_1313] {strides = array<i32>} : memref<80x128xf32, #tpu.memory_space<vmem>>, vector<1x16xf32>,
        %swap3A_1315 = vector.shape_cast %swap3A_1314 : vector<1x16xf32> to vector<16xf32>
        %swap3A_1316 = vector.shape_cast %mul3A_1311 : vector<16xf32> to vector<1x16xf32>
        tpu.vector_store %arg10[%swap3A_1312, %swap3A_1313], %swap3A_1316 {strides = array<i32>} : memref<80x128xf32, #tpu.memory_space<vmem>>, vector<1x16xf32>,
        %get3A_1317 = arith.index_cast %add3A_1273 : i32 to index
        %get3A_1318 = arith.constant 64 : index
        %get3A_1319 = tpu.vector_load %arg10[%get3A_1317, %get3A_1318] {strides = array<i32>} : memref<80x128xf32, #tpu.memory_space<vmem>>, vector<1x16xf32>,
        %get3A_1320 = vector.shape_cast %get3A_1319 : vector<1x16xf32> to vector<16xf32>
        %mul3A_1321 = arith.mulf %get3A_1320, %broadcast_in_dim3A_1276 : vector<16xf32>
        %swap3A_1322 = arith.index_cast %add3A_1273 : i32 to index
        %swap3A_1323 = arith.constant 64 : index
        %swap3A_1324 = tpu.vector_load %arg10[%swap3A_1322, %swap3A_1323] {strides = array<i32>} : memref<80x128xf32, #tpu.memory_space<vmem>>, vector<1x16xf32>,
        %swap3A_1325 = vector.shape_cast %swap3A_1324 : vector<1x16xf32> to vector<16xf32>
        %swap3A_1326 = vector.shape_cast %mul3A_1321 : vector<16xf32> to vector<1x16xf32>
        tpu.vector_store %arg10[%swap3A_1322, %swap3A_1323], %swap3A_1326 {strides = array<i32>} : memref<80x128xf32, #tpu.memory_space<vmem>>, vector<1x16xf32>,
        %get3A_1327 = arith.index_cast %add3A_1273 : i32 to index
        %get3A_1328 = arith.constant 80 : index
        %get3A_1329 = tpu.vector_load %arg10[%get3A_1327, %get3A_1328] {strides = array<i32>} : memref<80x128xf32, #tpu.memory_space<vmem>>, vector<1x16xf32>,
        %get3A_1330 = vector.shape_cast %get3A_1329 : vector<1x16xf32> to vector<16xf32>
        %mul3A_1331 = arith.mulf %get3A_1330, %broadcast_in_dim3A_1276 : vector<16xf32>
        %swap3A_1332 = arith.index_cast %add3A_1273 : i32 to index
        %swap3A_1333 = arith.constant 80 : index
        %swap3A_1334 = tpu.vector_load %arg10[%swap3A_1332, %swap3A_1333] {strides = array<i32>} : memref<80x128xf32, #tpu.memory_space<vmem>>, vector<1x16xf32>,
        %swap3A_1335 = vector.shape_cast %swap3A_1334 : vector<1x16xf32> to vector<16xf32>
        %swap3A_1336 = vector.shape_cast %mul3A_1331 : vector<16xf32> to vector<1x16xf32>
        tpu.vector_store %arg10[%swap3A_1332, %swap3A_1333], %swap3A_1336 {strides = array<i32>} : memref<80x128xf32, #tpu.memory_space<vmem>>, vector<1x16xf32>,
        %get3A_1337 = arith.index_cast %add3A_1273 : i32 to index
        %get3A_1338 = arith.constant 96 : index
        %get3A_1339 = tpu.vector_load %arg10[%get3A_1337, %get3A_1338] {strides = array<i32>} : memref<80x128xf32, #tpu.memory_space<vmem>>, vector<1x16xf32>,
        %get3A_1340 = vector.shape_cast %get3A_1339 : vector<1x16xf32> to vector<16xf32>
        %mul3A_1341 = arith.mulf %get3A_1340, %broadcast_in_dim3A_1276 : vector<16xf32>
        %swap3A_1342 = arith.index_cast %add3A_1273 : i32 to index
        %swap3A_1343 = arith.constant 96 : index
        %swap3A_1344 = tpu.vector_load %arg10[%swap3A_1342, %swap3A_1343] {strides = array<i32>} : memref<80x128xf32, #tpu.memory_space<vmem>>, vector<1x16xf32>,
        %swap3A_1345 = vector.shape_cast %swap3A_1344 : vector<1x16xf32> to vector<16xf32>
        %swap3A_1346 = vector.shape_cast %mul3A_1341 : vector<16xf32> to vector<1x16xf32>
        tpu.vector_store %arg10[%swap3A_1342, %swap3A_1343], %swap3A_1346 {strides = array<i32>} : memref<80x128xf32, #tpu.memory_space<vmem>>, vector<1x16xf32>,
        %get3A_1347 = arith.index_cast %add3A_1273 : i32 to index
        %get3A_1348 = arith.constant 112 : index
        %get3A_1349 = tpu.vector_load %arg10[%get3A_1347, %get3A_1348] {strides = array<i32>} : memref<80x128xf32, #tpu.memory_space<vmem>>, vector<1x16xf32>,
        %get3A_1350 = vector.shape_cast %get3A_1349 : vector<1x16xf32> to vector<16xf32>
        %mul3A_1351 = arith.mulf %get3A_1350, %broadcast_in_dim3A_1276 : vector<16xf32>
        %swap3A_1352 = arith.index_cast %add3A_1273 : i32 to index
        %swap3A_1353 = arith.constant 112 : index
        %swap3A_1354 = tpu.vector_load %arg10[%swap3A_1352, %swap3A_1353] {strides = array<i32>} : memref<80x128xf32, #tpu.memory_space<vmem>>, vector<1x16xf32>,
        %swap3A_1355 = vector.shape_cast %swap3A_1354 : vector<1x16xf32> to vector<16xf32>
        %swap3A_1356 = vector.shape_cast %mul3A_1351 : vector<16xf32> to vector<1x16xf32>
        tpu.vector_store %arg10[%swap3A_1352, %swap3A_1353], %swap3A_1356 {strides = array<i32>} : memref<80x128xf32, #tpu.memory_space<vmem>>, vector<1x16xf32>,
        %mul3A_1357 = arith.constant 16 : i32
        %mul3A_1358 = arith.muli %scan3A_50, %mul3A_1357 : i32
        %add3A_1359 = arith.constant 15 : i32
        %add3A_1360 = arith.addi %mul3A_1358, %add3A_1359 : i32
        %slice3A_1361 = vector.extract_strided_slice %get3A_55 {offsets = [15], sizes = [1], strides = [1]} : vector<16xf32> to vector<1xf32>
        %squeeze3A_1362 = vector.extract %slice3A_1361[0] : f32 from vector<1xf32>
        %broadcast_in_dim3A_1363 = vector.broadcast %squeeze3A_1362 : f32 to vector<16xf32>
        %get3A_1364 = arith.index_cast %add3A_1360 : i32 to index
        %get3A_1365 = arith.constant 0 : index
        %get3A_1366 = tpu.vector_load %arg10[%get3A_1364, %get3A_1365] {strides = array<i32>} : memref<80x128xf32, #tpu.memory_space<vmem>>, vector<1x16xf32>,
        %get3A_1367 = vector.shape_cast %get3A_1366 : vector<1x16xf32> to vector<16xf32>
        %mul3A_1368 = arith.mulf %get3A_1367, %broadcast_in_dim3A_1363 : vector<16xf32>
        %swap3A_1369 = arith.index_cast %add3A_1360 : i32 to index
        %swap3A_1370 = arith.constant 0 : index
        %swap3A_1371 = tpu.vector_load %arg10[%swap3A_1369, %swap3A_1370] {strides = array<i32>} : memref<80x128xf32, #tpu.memory_space<vmem>>, vector<1x16xf32>,
        %swap3A_1372 = vector.shape_cast %swap3A_1371 : vector<1x16xf32> to vector<16xf32>
        %swap3A_1373 = vector.shape_cast %mul3A_1368 : vector<16xf32> to vector<1x16xf32>
        tpu.vector_store %arg10[%swap3A_1369, %swap3A_1370], %swap3A_1373 {strides = array<i32>} : memref<80x128xf32, #tpu.memory_space<vmem>>, vector<1x16xf32>,
        %get3A_1374 = arith.index_cast %add3A_1360 : i32 to index
        %get3A_1375 = arith.constant 16 : index
        %get3A_1376 = tpu.vector_load %arg10[%get3A_1374, %get3A_1375] {strides = array<i32>} : memref<80x128xf32, #tpu.memory_space<vmem>>, vector<1x16xf32>,
        %get3A_1377 = vector.shape_cast %get3A_1376 : vector<1x16xf32> to vector<16xf32>
        %mul3A_1378 = arith.mulf %get3A_1377, %broadcast_in_dim3A_1363 : vector<16xf32>
        %swap3A_1379 = arith.index_cast %add3A_1360 : i32 to index
        %swap3A_1380 = arith.constant 16 : index
        %swap3A_1381 = tpu.vector_load %arg10[%swap3A_1379, %swap3A_1380] {strides = array<i32>} : memref<80x128xf32, #tpu.memory_space<vmem>>, vector<1x16xf32>,
        %swap3A_1382 = vector.shape_cast %swap3A_1381 : vector<1x16xf32> to vector<16xf32>
        %swap3A_1383 = vector.shape_cast %mul3A_1378 : vector<16xf32> to vector<1x16xf32>
        tpu.vector_store %arg10[%swap3A_1379, %swap3A_1380], %swap3A_1383 {strides = array<i32>} : memref<80x128xf32, #tpu.memory_space<vmem>>, vector<1x16xf32>,
        %get3A_1384 = arith.index_cast %add3A_1360 : i32 to index
        %get3A_1385 = arith.constant 32 : index
        %get3A_1386 = tpu.vector_load %arg10[%get3A_1384, %get3A_1385] {strides = array<i32>} : memref<80x128xf32, #tpu.memory_space<vmem>>, vector<1x16xf32>,
        %get3A_1387 = vector.shape_cast %get3A_1386 : vector<1x16xf32> to vector<16xf32>
        %mul3A_1388 = arith.mulf %get3A_1387, %broadcast_in_dim3A_1363 : vector<16xf32>
        %swap3A_1389 = arith.index_cast %add3A_1360 : i32 to index
        %swap3A_1390 = arith.constant 32 : index
        %swap3A_1391 = tpu.vector_load %arg10[%swap3A_1389, %swap3A_1390] {strides = array<i32>} : memref<80x128xf32, #tpu.memory_space<vmem>>, vector<1x16xf32>,
        %swap3A_1392 = vector.shape_cast %swap3A_1391 : vector<1x16xf32> to vector<16xf32>
        %swap3A_1393 = vector.shape_cast %mul3A_1388 : vector<16xf32> to vector<1x16xf32>
        tpu.vector_store %arg10[%swap3A_1389, %swap3A_1390], %swap3A_1393 {strides = array<i32>} : memref<80x128xf32, #tpu.memory_space<vmem>>, vector<1x16xf32>,
        %get3A_1394 = arith.index_cast %add3A_1360 : i32 to index
        %get3A_1395 = arith.constant 48 : index
        %get3A_1396 = tpu.vector_load %arg10[%get3A_1394, %get3A_1395] {strides = array<i32>} : memref<80x128xf32, #tpu.memory_space<vmem>>, vector<1x16xf32>,
        %get3A_1397 = vector.shape_cast %get3A_1396 : vector<1x16xf32> to vector<16xf32>
        %mul3A_1398 = arith.mulf %get3A_1397, %broadcast_in_dim3A_1363 : vector<16xf32>
        %swap3A_1399 = arith.index_cast %add3A_1360 : i32 to index
        %swap3A_1400 = arith.constant 48 : index
        %swap3A_1401 = tpu.vector_load %arg10[%swap3A_1399, %swap3A_1400] {strides = array<i32>} : memref<80x128xf32, #tpu.memory_space<vmem>>, vector<1x16xf32>,
        %swap3A_1402 = vector.shape_cast %swap3A_1401 : vector<1x16xf32> to vector<16xf32>
        %swap3A_1403 = vector.shape_cast %mul3A_1398 : vector<16xf32> to vector<1x16xf32>
        tpu.vector_store %arg10[%swap3A_1399, %swap3A_1400], %swap3A_1403 {strides = array<i32>} : memref<80x128xf32, #tpu.memory_space<vmem>>, vector<1x16xf32>,
        %get3A_1404 = arith.index_cast %add3A_1360 : i32 to index
        %get3A_1405 = arith.constant 64 : index
        %get3A_1406 = tpu.vector_load %arg10[%get3A_1404, %get3A_1405] {strides = array<i32>} : memref<80x128xf32, #tpu.memory_space<vmem>>, vector<1x16xf32>,
        %get3A_1407 = vector.shape_cast %get3A_1406 : vector<1x16xf32> to vector<16xf32>
        %mul3A_1408 = arith.mulf %get3A_1407, %broadcast_in_dim3A_1363 : vector<16xf32>
        %swap3A_1409 = arith.index_cast %add3A_1360 : i32 to index
        %swap3A_1410 = arith.constant 64 : index
        %swap3A_1411 = tpu.vector_load %arg10[%swap3A_1409, %swap3A_1410] {strides = array<i32>} : memref<80x128xf32, #tpu.memory_space<vmem>>, vector<1x16xf32>,
        %swap3A_1412 = vector.shape_cast %swap3A_1411 : vector<1x16xf32> to vector<16xf32>
        %swap3A_1413 = vector.shape_cast %mul3A_1408 : vector<16xf32> to vector<1x16xf32>
        tpu.vector_store %arg10[%swap3A_1409, %swap3A_1410], %swap3A_1413 {strides = array<i32>} : memref<80x128xf32, #tpu.memory_space<vmem>>, vector<1x16xf32>,
        %get3A_1414 = arith.index_cast %add3A_1360 : i32 to index
        %get3A_1415 = arith.constant 80 : index
        %get3A_1416 = tpu.vector_load %arg10[%get3A_1414, %get3A_1415] {strides = array<i32>} : memref<80x128xf32, #tpu.memory_space<vmem>>, vector<1x16xf32>,
        %get3A_1417 = vector.shape_cast %get3A_1416 : vector<1x16xf32> to vector<16xf32>
        %mul3A_1418 = arith.mulf %get3A_1417, %broadcast_in_dim3A_1363 : vector<16xf32>
        %swap3A_1419 = arith.index_cast %add3A_1360 : i32 to index
        %swap3A_1420 = arith.constant 80 : index
        %swap3A_1421 = tpu.vector_load %arg10[%swap3A_1419, %swap3A_1420] {strides = array<i32>} : memref<80x128xf32, #tpu.memory_space<vmem>>, vector<1x16xf32>,
        %swap3A_1422 = vector.shape_cast %swap3A_1421 : vector<1x16xf32> to vector<16xf32>
        %swap3A_1423 = vector.shape_cast %mul3A_1418 : vector<16xf32> to vector<1x16xf32>
        tpu.vector_store %arg10[%swap3A_1419, %swap3A_1420], %swap3A_1423 {strides = array<i32>} : memref<80x128xf32, #tpu.memory_space<vmem>>, vector<1x16xf32>,
        %get3A_1424 = arith.index_cast %add3A_1360 : i32 to index
        %get3A_1425 = arith.constant 96 : index
        %get3A_1426 = tpu.vector_load %arg10[%get3A_1424, %get3A_1425] {strides = array<i32>} : memref<80x128xf32, #tpu.memory_space<vmem>>, vector<1x16xf32>,
        %get3A_1427 = vector.shape_cast %get3A_1426 : vector<1x16xf32> to vector<16xf32>
        %mul3A_1428 = arith.mulf %get3A_1427, %broadcast_in_dim3A_1363 : vector<16xf32>
        %swap3A_1429 = arith.index_cast %add3A_1360 : i32 to index
        %swap3A_1430 = arith.constant 96 : index
        %swap3A_1431 = tpu.vector_load %arg10[%swap3A_1429, %swap3A_1430] {strides = array<i32>} : memref<80x128xf32, #tpu.memory_space<vmem>>, vector<1x16xf32>,
        %swap3A_1432 = vector.shape_cast %swap3A_1431 : vector<1x16xf32> to vector<16xf32>
        %swap3A_1433 = vector.shape_cast %mul3A_1428 : vector<16xf32> to vector<1x16xf32>
        tpu.vector_store %arg10[%swap3A_1429, %swap3A_1430], %swap3A_1433 {strides = array<i32>} : memref<80x128xf32, #tpu.memory_space<vmem>>, vector<1x16xf32>,
        %get3A_1434 = arith.index_cast %add3A_1360 : i32 to index
        %get3A_1435 = arith.constant 112 : index
        %get3A_1436 = tpu.vector_load %arg10[%get3A_1434, %get3A_1435] {strides = array<i32>} : memref<80x128xf32, #tpu.memory_space<vmem>>, vector<1x16xf32>,
        %get3A_1437 = vector.shape_cast %get3A_1436 : vector<1x16xf32> to vector<16xf32>
        %mul3A_1438 = arith.mulf %get3A_1437, %broadcast_in_dim3A_1363 : vector<16xf32>
        %swap3A_1439 = arith.index_cast %add3A_1360 : i32 to index
        %swap3A_1440 = arith.constant 112 : index
        %swap3A_1441 = tpu.vector_load %arg10[%swap3A_1439, %swap3A_1440] {strides = array<i32>} : memref<80x128xf32, #tpu.memory_space<vmem>>, vector<1x16xf32>,
        %swap3A_1442 = vector.shape_cast %swap3A_1441 : vector<1x16xf32> to vector<16xf32>
        %swap3A_1443 = vector.shape_cast %mul3A_1438 : vector<16xf32> to vector<1x16xf32>
        tpu.vector_store %arg10[%swap3A_1439, %swap3A_1440], %swap3A_1443 {strides = array<i32>} : memref<80x128xf32, #tpu.memory_space<vmem>>, vector<1x16xf32>,
        %scan3A_1444 = arith.constant 0 : i32
        scf.yield %scan3A_1444 : i32
      }
      %scan3A_48 = arith.constant 5 : i32
      "tpu.region"() ({
        %run_scoped3A = tpu.sem_alloc : memref<!tpu.dma_semaphore, #tpu.memory_space<semaphore_mem>>
        %dma_start3A_50 = arith.constant 0 : i32
        %dma_start3A_51 = arith.constant 0 : i32
        %dma_start3A_52 = tpu.memref_slice %arg12[%dma_start3A_50, %dma_start3A_51] : memref<10240x128xf32, #tpu.memory_space<vmem_shared>> -> memref<10240x128xf32, #tpu.memory_space<vmem_shared>>
        tpu.enqueue_indirect_dma source(%arg10 : memref<80x128xf32, #tpu.memory_space<vmem>>) target(%dma_start3A_52 : memref<10240x128xf32, #tpu.memory_space<vmem_shared>>) offsets(%arg8 : memref<80xi32, #tpu.memory_space<vmem>>) semaphore(%run_scoped3A : memref<!tpu.dma_semaphore, #tpu.memory_space<semaphore_mem>>) {add = true}
        %dma_wait3A_53 = arith.constant 0 : i32
        %dma_wait3A_54 = arith.constant 0 : i32
        %dma_wait3A_55 = tpu.memref_slice %arg12[%dma_wait3A_53, %dma_wait3A_54] : memref<10240x128xf32, #tpu.memory_space<vmem_shared>> -> memref<10240x128xf32, #tpu.memory_space<vmem_shared>>
        tpu.wait_indirect_dma semaphore(%run_scoped3A : memref<!tpu.dma_semaphore, #tpu.memory_space<semaphore_mem>>) src(%arg10 : memref<80x128xf32, #tpu.memory_space<vmem>>) dst(%dma_wait3A_55 : memref<10240x128xf32, #tpu.memory_space<vmem_shared>>)
        tpu.yield
      }) : () -> ()
      %scan3A_49 = arith.constant 0 : i32
      scf.yield %scan3A_49 : i32
    }
    %scan3A_24 = arith.constant 125 : i32
    %barrier3A_25 = arith.constant 0 : index
    tpu.barrier barrier_id(%barrier3A_25)
    %scan3A_26 = arith.constant 0 : i32
    %scan3A_27 = arith.constant 0 : i32
    %scan3A_28 = arith.constant 10 : i32
    %scan3A_29 = arith.addi %scan3A_27, %scan3A_28 : i32
    %scan3A_30 = arith.constant 1 : i32
    %scan3A_31 = scf.for %scan3A_33 = %scan3A_27 to %scan3A_29 step %scan3A_30 iter_args(%scan3A_34 = %scan3A_26) -> (i32)  : i32 {
      %mul3A_35 = arith.constant 64 : i32
      %mul3A_36 = arith.muli %scan3A_33, %mul3A_35 : i32
      %add3A_37 = arith.addi %mul3A_8, %mul3A_36 : i32
      "tpu.region"() ({
        %run_scoped3A = tpu.sem_alloc : memref<!tpu.dma_semaphore, #tpu.memory_space<semaphore_mem>>
        %dma_start3A = arith.constant 0 : i32
        %dma_start3A_39 = tpu.memref_slice %arg6[%arg0, %add3A_37, %dma_start3A] : memref<2x10240x128xf32, #tpu.memory_space<hbm>> -> memref<1x64x128xf32, #tpu.memory_space<hbm>>
        %dma_start3A_40 = tpu.memref_squeeze %dma_start3A_39 : memref<1x64x128xf32, #tpu.memory_space<hbm>> -> memref<64x128xf32, #tpu.memory_space<hbm>>
        %dma_start3A_41 = arith.constant 0 : i32
        %dma_start3A_42 = tpu.memref_slice %arg12[%add3A_37, %dma_start3A_41] : memref<10240x128xf32, #tpu.memory_space<vmem_shared>> -> memref<64x128xf32, #tpu.memory_space<vmem_shared>>
        tpu.enqueue_dma source(%dma_start3A_42 : memref<64x128xf32, #tpu.memory_space<vmem_shared>>) target(%dma_start3A_40 : memref<64x128xf32, #tpu.memory_space<hbm>>) target_semaphore(%run_scoped3A : memref<!tpu.dma_semaphore, #tpu.memory_space<semaphore_mem>>)
        %dma_wait3A = arith.constant 0 : i32
        %dma_wait3A_43 = tpu.memref_slice %arg6[%arg0, %add3A_37, %dma_wait3A] : memref<2x10240x128xf32, #tpu.memory_space<hbm>> -> memref<1x64x128xf32, #tpu.memory_space<hbm>>
        %dma_wait3A_44 = tpu.memref_squeeze %dma_wait3A_43 : memref<1x64x128xf32, #tpu.memory_space<hbm>> -> memref<64x128xf32, #tpu.memory_space<hbm>>
        %dma_wait3A_45 = arith.constant 0 : i32
        %dma_wait3A_46 = tpu.memref_slice %arg12[%add3A_37, %dma_wait3A_45] : memref<10240x128xf32, #tpu.memory_space<vmem_shared>> -> memref<64x128xf32, #tpu.memory_space<vmem_shared>>
        tpu.wait_dma2 semaphore(%run_scoped3A : memref<!tpu.dma_semaphore, #tpu.memory_space<semaphore_mem>>) src(%dma_wait3A_46 : memref<64x128xf32, #tpu.memory_space<vmem_shared>>) dst(%dma_wait3A_44 : memref<64x128xf32, #tpu.memory_space<hbm>>)
        tpu.yield
      }) : () -> ()
      %scan3A_38 = arith.constant 0 : i32
      scf.yield %scan3A_38 : i32
    }
    %scan3A_32 = arith.constant 10 : i32
    return
  }
}

module attributes {stable_mosaic.version = 14 : i64} {
  func.func @_comb_body(%arg0: i32, %arg1: memref<2x2000x128xf32, #tpu.memory_space<vmem>>, %arg2: memref<1x128xf32, #tpu.memory_space<vmem>>, %arg3: memref<2000x128xf32, #tpu.memory_space<vmem>>) attributes {dimension_semantics = [#tpu.dimension_semantics<arbitrary>], iteration_bounds = array<i64: 5>, scalar_prefetch = 0 : i64, scratch_operands = 0 : i64, tpu.core_type = #tpu.core_type<tc>, window_params = [{transform_indices = @transform_0, window_bounds = array<i64: 2, 2000, 128>}, {pipeline_mode = #tpu.pipeline_mode<synchronous>, transform_indices = @transform_1, window_bounds = array<i64: 1, 128>}, {transform_indices = @transform_2, window_bounds = array<i64: 2000, 128>}]} {
    %get3A = arith.constant 0 : index
    %get3A_0 = arith.constant 0 : index
    %get3A_1 = arith.constant 0 : index
    %get3A_2 = vector.load %arg1[%get3A, %get3A_0, %get3A_1] : memref<2x2000x128xf32, #tpu.memory_space<vmem>>, vector<1x2000x128xf32>
    %get3A_3 = vector.shape_cast %get3A_2 : vector<1x2000x128xf32> to vector<2000x128xf32>
    %get3A_4 = arith.constant 1 : index
    %get3A_5 = arith.constant 0 : index
    %get3A_6 = arith.constant 0 : index
    %get3A_7 = vector.load %arg1[%get3A_4, %get3A_5, %get3A_6] : memref<2x2000x128xf32, #tpu.memory_space<vmem>>, vector<1x2000x128xf32>
    %get3A_8 = vector.shape_cast %get3A_7 : vector<1x2000x128xf32> to vector<2000x128xf32>
    %add3A = arith.addf %get3A_3, %get3A_8 : vector<2000x128xf32>
    %get3A_9 = arith.constant 0 : index
    %get3A_10 = arith.constant 0 : index
    %get3A_11 = vector.load %arg2[%get3A_9, %get3A_10] : memref<1x128xf32, #tpu.memory_space<vmem>>, vector<1x128xf32>
    %add3A_12 = vector.broadcast %get3A_11 : vector<1x128xf32> to vector<2000x128xf32>
    %add3A_13 = arith.addf %add3A, %add3A_12 : vector<2000x128xf32>
    %swap3A = arith.constant 0 : index
    %swap3A_14 = arith.constant 0 : index
    %swap3A_15 = vector.load %arg3[%swap3A, %swap3A_14] : memref<2000x128xf32, #tpu.memory_space<vmem>>, vector<2000x128xf32>
    tpu.vector_store %arg3[%swap3A, %swap3A_14], %add3A_13 {strides = array<i32>} : memref<2000x128xf32, #tpu.memory_space<vmem>>, vector<2000x128xf32>,
    return
  }
  func.func @transform_0(%arg0: i32) -> (i32, i32, i32) {
    %c0_i32 = arith.constant 0 : i32
    %c0_i32_0 = arith.constant 0 : i32
    %c0_i32_1 = arith.constant 0 : i32
    return %c0_i32, %arg0, %c0_i32_0 : i32, i32, i32
  }
  func.func @transform_1(%arg0: i32) -> (i32, i32) {
    %c0_i32 = arith.constant 0 : i32
    %c0_i32_0 = arith.constant 0 : i32
    %c0_i32_1 = arith.constant 0 : i32
    return %c0_i32, %c0_i32_0 : i32, i32
  }
  func.func @transform_2(%arg0: i32) -> (i32, i32) {
    %c0_i32 = arith.constant 0 : i32
    %c0_i32_0 = arith.constant 0 : i32
    return %arg0, %c0_i32 : i32, i32
  }
}

module attributes {stable_mosaic.version = 14 : i64} {
  func.func @_mm_body(%arg0: i32, %arg1: memref<2000x128xf32, #tpu.memory_space<vmem>>, %arg2: memref<128x128xf32, #tpu.memory_space<vmem>>, %arg3: memref<2000x128xf32, #tpu.memory_space<vmem>>) attributes {dimension_semantics = [#tpu.dimension_semantics<arbitrary>], iteration_bounds = array<i64: 5>, scalar_prefetch = 0 : i64, scratch_operands = 0 : i64, tpu.core_type = #tpu.core_type<tc>, window_params = [{transform_indices = @transform_0, window_bounds = array<i64: 2000, 128>}, {pipeline_mode = #tpu.pipeline_mode<synchronous>, transform_indices = @transform_1, window_bounds = array<i64: 128, 128>}, {transform_indices = @transform_2, window_bounds = array<i64: 2000, 128>}]} {
    %get3A = arith.constant 0 : index
    %get3A_0 = arith.constant 0 : index
    %get3A_1 = vector.load %arg1[%get3A, %get3A_0] : memref<2000x128xf32, #tpu.memory_space<vmem>>, vector<2000x128xf32>
    %get3A_2 = arith.constant 0 : index
    %get3A_3 = arith.constant 0 : index
    %get3A_4 = vector.load %arg2[%get3A_2, %get3A_3] : memref<128x128xf32, #tpu.memory_space<vmem>>, vector<128x128xf32>
    %dot_general3A = arith.constant dense<0.000000e+00> : vector<2000x128xf32>
    %dot_general3A_5 = tpu.matmul %get3A_1, %get3A_4, %dot_general3A {dimension_numbers = #tpu.dot_dimension_numbers<[1], [0], [0], [1], [0, 0, 1, 1], [], []>, transpose_lhs_hint = false} : vector<2000x128xf32>, vector<128x128xf32>, vector<2000x128xf32> -> vector<2000x128xf32>
    %swap3A = arith.constant 0 : index
    %swap3A_6 = arith.constant 0 : index
    %swap3A_7 = vector.load %arg3[%swap3A, %swap3A_6] : memref<2000x128xf32, #tpu.memory_space<vmem>>, vector<2000x128xf32>
    tpu.vector_store %arg3[%swap3A, %swap3A_6], %dot_general3A_5 {strides = array<i32>} : memref<2000x128xf32, #tpu.memory_space<vmem>>, vector<2000x128xf32>,
    return
  }
  func.func @transform_0(%arg0: i32) -> (i32, i32) {
    %c0_i32 = arith.constant 0 : i32
    %c0_i32_0 = arith.constant 0 : i32
    return %arg0, %c0_i32 : i32, i32
  }
  func.func @transform_1(%arg0: i32) -> (i32, i32) {
    %c0_i32 = arith.constant 0 : i32
    %c0_i32_0 = arith.constant 0 : i32
    %c0_i32_1 = arith.constant 0 : i32
    return %c0_i32, %c0_i32_0 : i32, i32
  }
  func.func @transform_2(%arg0: i32) -> (i32, i32) {
    %c0_i32 = arith.constant 0 : i32
    %c0_i32_0 = arith.constant 0 : i32
    return %arg0, %c0_i32 : i32, i32
  }
}

</mosaic_0001>

<sc_bundles>
// kernel: kernel.5.cloned.1.call-start
scs
__scs_entry_jumppad:
0x0: {  	(pc) =	sbr.rel $0x88, $3  }
0x1: {  	(tag) =	ssettag $0x0;
	lr =	simm.s32 $0x1  }
0x2: {  	[smem:$0x3F9C] =	sst lr;
	_ =	strace $0xD0000000  }
0x3: {  	_ = 	snop  }
0x4: {  	_ = 	snop  }
0x5: {  	_ = 	snop  }
0x6: {  	_ = 	snop  }
0x7: {  	_ = 	snop  }
__scs_overlays_trampoline_lowered:
0x8: {  	[smem:$0x3FAB] =	sst s0  }
0x9: {  	[smem:$0x3FAC] =	sst s1  }
0xa: {  	[smem:$0x3FAD] =	sst s2  }
0xb: {  	[smem:$0x3FAE] =	sst s3  }
0xc: {  	[smem:$0x3FAF] =	sst s4  }
0xd: {  	[smem:$0x3FB0] =	sst s5  }
0xe: {  	[smem:$0x3FB1] =	sst s6  }
0xf: {  	[smem:$0x3FB2] =	sst s7  }
0x10: {  	[smem:$0x3FB3] =	sst s8  }
0x11: {  	[smem:$0x3FB4] =	sst s9;
	s0 =	simm.s32 @!p0 $0x0  }
0x12: {  	s1 =	sld [smem:$0x3F9A];
	s0 =	simm.s32 @p0 $0x1  }
0x13: {  	[smem:$0x3FB5] =	sst s0;
	s0 =	simm.s32 @!p1 $0x0  }
0x14: {  	s2 =	sld [smem:$0x3F99];
	s0 =	simm.s32 @p1 $0x1  }
0x15: {  	[smem:$0x3FB6] =	sst s0;
	s0 =	simm.s32 @!p2 $0x0  }
0x16: {  	s3 =	sld [smem:$0x3FDB];
	s0 =	simm.s32 @p2 $0x1  }
0x17: {  	s4 =	simm.s32 $0x1BF5;
	[smem:$0x3FB8] =	sst s0  }
0x18: {  	s0 =	sld [smem:$0x3F9B];
	_ =	swait.ge [sflag:s4], $0x0  }
0x19: {  	s7 =	sld [smem:$0x3F9C]  }
0x1a: {  	s8 =	sadd.s32 $0xFFFFE003, lr  }
0x1b: {  	s9 =	sadd.s32 $0xFFFFFEF7, lr;
	s5 =	simm.s32 $0xFFFFFFFF;
	p2 =	slt.u32 s8, $0xFFFFF086  }
0x1c: {  	p1 =	slt.u32 s9, $0xF7A;
	s5 =	simm.s32 @!p2 $0x0  }
0x1d: {  	s5 =	simm.s32 @p1 $0x1;
	p0 =	seq.s32 s7, s2  }
0x1e: {  	s7 =	smul.u32 @!p0 $0xF7A, s2;
	p2 =	seq.s32 @!p0 s5, $0x0  }
0x1f: {  	s9 =	smul.u32 $0xF7A, s1;
	s8 =	simm.s32 @!p0 $0x1BF5;
	p2 =	por !p2, p0  }
0x20: {  	[sflag:s8] =	ssyncset.s32 @!p0 $0xFFFFF086;
	s6 =	sadd.s32 @!p0 s3, s7;
	s7 =	simm.s32 @!p0 $0x108  }
0x21: {  	s3 =	sadd.s32 s3, s9;
	s6 =	sadd.s32 @!p0 $0x88, s6;
	s7 =	simm.s32 @p2 $0x1082  }
0x22: {  	[simem:s7], [sflag:s8] =	dma.local @!p0 [hbm:s6], $0xF7A  }
0x23: {  	s9 =	sor.u32 $0xD0000000, s2;
	s6 =	simm.s32 $0x108;
	_ =	swait.ge @!p0 [sflag:s8], $0x0  }
0x24: {  	s3 =	sadd.s32 $0x88, s3;
	s6 =	simm.s32 @!p1 $0x1082;
	[sflag:s4] =	ssyncset.s32 $0xFFFFF086  }
0x25: {  	[simem:s6], [sflag:s4] =	dma.local [hbm:s3], $0xF7A  }
0x26: {  	[smem:$0x3F9C] =	sst s1;
	(tag) =	ssettag s2;
	_ =	strace s9  }
0x27: {  	s1 =	sld [smem:$0x3FAC]  }
0x28: {  	s2 =	sld [smem:$0x3FAD]  }
0x29: {  	s4 =	sld [smem:$0x3FAF]  }
0x2a: {  	p0 =	seq.s32 s5, $0x0;
	s5 =	sld [smem:$0x3FB0]  }
0x2b: {  	s6 =	sld [smem:$0x3FB1]  }
0x2c: {  	s7 =	sld [smem:$0x3FB2]  }
0x2d: {  	s3 =	simm.s32 $0x108;
	s8 =	sld [smem:$0x3FB3]  }
0x2e: {  	s3 =	simm.s32 @!p0 $0x1082;
	s9 =	sld [smem:$0x3FB4]  }
0x2f: {  	lr =	sadd.s32 s0, s3;
	s0 =	sld [smem:$0x3FAB]  }
0x30: {  	s3 =	sld [smem:$0x3FAE]  }
0x31: {  	[smem:$0x3FB7] =	sst s10  }
0x32: {  	s10 =	sld [smem:$0x3FB5];
	_ =	sdelay $0x3  }
0x33: {  	p0 =	seq.s32 s10, $0x1;
	s10 =	sld [smem:$0x3FB7];
	_ =	sdelay $0x3  }
0x34: {  	[smem:$0x3FB7] =	sst s10  }
0x35: {  	s10 =	sld [smem:$0x3FB6];
	_ =	sdelay $0x3  }
0x36: {  	p1 =	seq.s32 s10, $0x1;
	s10 =	sld [smem:$0x3FB7];
	_ =	sdelay $0x3  }
0x37: {  	[smem:$0x3FB7] =	sst s10  }
0x38: {  	s10 =	sld [smem:$0x3FB8]  }
0x39: {  	_ = 	snop;
	(pc) =	sbr.ind lr, $3  }
0x3a: {  	_ = 	snop  }
0x3b: {  	_ = 	snop  }
0x3c: {  	p2 =	seq.s32 s10, $0x1;
	s10 =	sld [smem:$0x3FB7]  }
0x3d: {  	_ =	shalt  }
0x3e: {  	_ =	shalt  }
0x3f: {  	_ =	shalt  }
0x40: {  	_ =	shalt  }
0x41: {  	_ =	shalt  }
0x42: {  	_ =	shalt  }
0x43: {  	_ =	shalt  }
0x44: {  	_ =	shalt  }
0x45: {  	_ =	shalt  }
0x46: {  	_ =	shalt  }
0x47: {  	_ =	shalt  }
0x48: {  	_ =	shalt  }
0x49: {  	_ =	shalt  }
0x4a: {  	_ =	shalt  }
0x4b: {  	_ =	shalt  }
0x4c: {  	_ =	shalt  }
0x4d: {  	_ =	shalt  }
0x4e: {  	_ =	shalt  }
0x4f: {  	_ =	shalt  }
0x50: {  	_ =	shalt  }
0x51: {  	_ =	shalt  }
0x52: {  	_ =	shalt  }
0x53: {  	_ =	shalt  }
0x54: {  	_ =	shalt  }
0x55: {  	_ =	shalt  }
0x56: {  	_ =	shalt  }
0x57: {  	_ =	shalt  }
0x58: {  	_ =	shalt  }
0x59: {  	_ =	shalt  }
0x5a: {  	_ =	shalt  }
0x5b: {  	_ =	shalt  }
0x5c: {  	_ =	shalt  }
0x5d: {  	_ =	shalt  }
0x5e: {  	_ =	shalt  }
0x5f: {  	_ =	shalt  }
0x60: {  	_ =	shalt  }
0x61: {  	_ =	shalt  }
0x62: {  	_ =	shalt  }
0x63: {  	_ =	shalt  }
0x64: {  	_ =	shalt  }
0x65: {  	_ =	shalt  }
0x66: {  	_ =	shalt  }
0x67: {  	_ =	shalt  }
0x68: {  	_ =	shalt  }
0x69: {  	_ =	shalt  }
0x6a: {  	_ =	shalt  }
0x6b: {  	_ =	shalt  }
0x6c: {  	_ =	shalt  }
0x6d: {  	_ =	shalt  }
0x6e: {  	_ =	shalt  }
0x6f: {  	_ =	shalt  }
0x70: {  	_ =	shalt  }
0x71: {  	_ =	shalt  }
0x72: {  	_ =	shalt  }
0x73: {  	_ =	shalt  }
0x74: {  	_ =	shalt  }
0x75: {  	_ =	shalt  }
0x76: {  	_ =	shalt  }
0x77: {  	_ =	shalt  }
0x78: {  	_ =	shalt  }
0x79: {  	_ =	shalt  }
0x7a: {  	_ =	shalt  }
0x7b: {  	_ =	shalt  }
0x7c: {  	_ =	shalt  }
0x7d: {  	_ =	shalt  }
0x7e: {  	_ =	shalt  }
0x7f: {  	_ =	shalt  }
0x80: {  	_ =	shalt  }
0x81: {  	_ =	shalt  }
0x82: {  	_ =	shalt  }
0x83: {  	_ =	shalt  }
0x84: {  	_ =	shalt  }
0x85: {  	_ =	shalt  }
0x86: {  	_ =	shalt  }
0x87: {  	_ =	shalt  }
.Lfunc_end0:
.L_simem_size_0:
called_computation_lowered:
.L_overlay_start_0:
0x88: {  	s2 =	sld [smem:$0x3FD9]  }
0x89: {  	s3 =	sld [smem:$0x3FFE];
	_ =	sdelay $0x1  }
0x8a: {  	s1 =	srdreg.scid  }
0x8b: {  	s0 =	sand.u32 $0x1, s1  }
0x8c: {  	s17 =	sshll.u32 s0, $0xA;
	s2 =	sadd.s32 s3, s2  }
0x8d: {  	s2 =	sadd.s32 s2, s17  }
0x8e: {  	[smem:$0x3FC3] =	sst s2  }
0x8f: {  	_ = 	snop  }
0x90: {  	s2 =	sld [smem:$0x3FC7]  }
0x91: {  	s18 =	sld [smem:$0x3FD0];
	(tm) =	ssettm $0x1  }
0x92: {  	s4 =	sld [smem:$0x3FFB];
	_ =	sdelay $0x3  }
0x93: {  	_ =	strace s4  }
0x94: {  	s4 =	sld [smem:$0x3FFC];
	_ =	sdelay $0x3  }
0x95: {  	_ =	strace s4  }
0x96: {  	s4 =	sld [smem:$0x3FFD];
	_ =	sdelay $0x3  }
0x97: {  	_ =	strace s4  }
0x98: {  	_ =	strace $0x8FFFFFFF  }
0x99: {  	s19 =	sld [smem:$0x3FDB];
	_ =	sdelay $0x1  }
0x9a: {  	s5 =	simm.s32 $_scs_section_size  }
0x9b: {  	s6 =	simm.s32 $_size__tile_overlayer_lowered;
	s7 =	simm.s32 $_tile_overlayer_lowered  }
0x9c: {  	s22 =	simm.s32 $0x1BFF;
	s21 =	sshll.u32 s7, $0x1;
	s4 =	sadd.s32 s5, s19  }
0x9d: {  	s8 =	simm.s32 $0x0;
	s20 =	sshll.u32 s6, $0x1;
	s6 =	sadd.s32 s21, s4  }
0x9e: {  	[timem:s8], [sflag:s22] =	dma.local [hbm:s6], s20  }
0x9f: {  	_ =	swait.ge [sflag:s22], s20  }
0xa0: {  	s5 =	ssub.s32 $0x0, s20;
	[sflag:s22] =	ssyncset.done $0x0  }
0xa1: {  	[sflag:s22] =	ssyncadd.s32 s5;
	_ =	sdelay $0x1  }
0xa2: {  	s23 =	simm.s32 $0x1B8B  }
0xa3: {  	_ =	swait.ge [sflag:s23], $0x1  }
0xa4: {  	[sflag:s23] =	ssyncset.done $0x0  }
0xa5: {  	s25 =	simm.s32 $0x1B8E;
	s24 =	sld [smem:$0x3FFE];
	[sflag:s23] =	ssyncadd.s32 $0xFFFFFFFF  }
0xa6: {  	s26 =	simm.s32 $execute0_lowered;
	[smem:$0x3FD2] =	sst s25  }
0xa7: {  	s6 =	sshll.u32 s26, $0x1;
	_ =	strace $0x80000046;
	[dreg:$0x1] =	wrdreg $0xFFFFFFFF  }
0xa8: {  	s28 =	simm.s32 $_size_execute0_lowered;
	s4 =	sadd.s32 s4, s6;
	[dreg:$0x0] =	wrdreg $0x0  }
0xa9: {  	s6 =	sshll.u32 s28, $0x1;
	[dreg:$0x2] =	wrdreg s4  }
0xaa: {  	[dreg:$0x3] =	wrdreg s6  }
0xab: {  	[dreg:$0x4] =	wrdreg $0xC0  }
0xac: {  	_ =	task [dreg:s8], $0x5FFFF  }
0xad: {  	[dreg:$0x1] =	wrdreg $0xFFFFFFFF  }
0xae: {  	[dreg:$0x0] =	wrdreg $0x60  }
0xaf: {  	[dreg:$0x2] =	wrdreg s18  }
0xb0: {  	[dreg:$0x3] =	wrdreg s24  }
0xb1: {  	[dreg:$0x4] =	wrdreg s2  }
0xb2: {  	[dreg:$0x5] =	wrdreg $0x49800  }
0xb3: {  	[dreg:$0x6] =	wrdreg $0x9  }
0xb4: {  	_ =	task.clear_ibuf [dreg:s8], $0x7FFFF;
	_ =	strace $0x90000046  }
0xb5: {  	s29 =	simm.s32 $0x9;
	_ =	strace $0x80000048  }
0xb6: {  	_ =	swait.ge [sflag:s29], $0x1  }
0xb7: {  	[sflag:s29] =	ssyncadd.s32 $0xFFFFFFFF  }
0xb8: {  	_ =	strace $0x90000048  }
0xb9: {  	_ =	sfence  }
0xba: {  	s30 =	sld [smem:$0x0];
	_ =	sdelay $0x2  }
0xbb: {  	s31 =	sshll.u32 s1, $0xD;
	s1 =	sshrl.u32 s1, $0x2  }
0xbc: {  	s3 =	sand.u32 $0x4000, s31;
	s1 =	sadd.s32 s1, s30  }
0xbd: {  	s0 =	sor.u32 s3, s0;
	s1 =	sshll.u32 s1, $0x11  }
0xbe: {  	s0 =	sor.u32 s1, s0  }
0xbf: {  	s0 =	sadd.s32 $0x8F2B, s0  }
0xc0: {  	[sflag:s0] =	ssyncadd.remote.s32 $0x1  }
0xc1: {  	_ =	sfence.sel $0xFFFF  }
0xc2: {  	[dreg:$0x0] =	wrdreg $0xFFFFFFFF;
	(pc) =	sbr.abs _section_cstart, $3  }
0xc3: {  	[dreg:$0x1] =	wrdreg $0xFFFFFFFF  }
0xc4: {  	_ =	task.clear_ibuf [dreg:s8], $0x2FFFF;
	_ =	strace $0x9FFFFFFF  }
0xc5: {  	(tm) =	ssettm $0x7FFFFFFF  }
tec
execute0_lowered:
.L_overlay_start_1:
0x0: {  	(tag) =	ssettag $0x1  }
0x1: {  	s1 =	rddreg [dreg:$0x0];
	s0 =	srdreg.scid  }
0x2: {  	s2 =	rddreg [dreg:$0x1];
	s16 =	stileid.u32;
	s7 =	simm.s32 $0x0  }
0x3: {  	s0 =	sand.u32 $0x1, s0;
	s6 =	smul.u32 $0x14000, s16;
	[smem:$0x7FF] =	sst s7  }
0x4: {  	s26 =	sadd.s32 $0x14200, s2;
	s12 =	sshll.u32 s16, $0x1;
	s16 =	smul.u32 $0x50000, s16  }
0x5: {  	s3 =	ssub.s32 $0x2, s0;
	s4 =	smul.u32 $0x140000, s0;
	s0 =	sor.u32 s0, s12  }
0x6: {  	s5 =	sshrl.u32 s3, $0x1;
	s9 =	sor.u32 $0x2000, s6;
	s10 =	sadd.s32 $0x6000, s6  }
0x7: {  	s3 =	ssub.s32 s3, s5;
	s8 =	sadd.s32 s4, s6;
	s14 =	sadd.s32 s4, s9  }
0x8: {  	s11 =	sadd.s32 s4, s10;
	s13 =	sshrl.u32 s8, $0x3;
	s15 =	sshrl.u32 s14, $0x3  }
0x9: {  	s8 =	sadd.s32 $0x4000, s6;
	s14 =	sadd.s32 $0x8000, s6;
	s18 =	sshrl.u32 s11, $0x3  }
0xa: {  	s11 =	sadd.s32 $0xA000, s6;
	s5 =	sadd.s32 s26, s13;
	s17 =	sadd.s32 s4, s8  }
0xb: {  	s19 =	sadd.s32 s4, s14;
	s21 =	sadd.s32 s4, s11;
	s13 =	rddreg [dreg:$0x3]  }
0xc: {  	[dreg:$0x5] =	wrdreg s5;
	s5 =	sadd.s32 s26, s15;
	s20 =	sshrl.u32 s19, $0x3  }
0xd: {  	s15 =	sadd.s32 $0xC000, s6;
	s19 =	smul.u32 $0x2710, s0;
	s7 =	sadd.s32 s9, s13  }
0xe: {  	s8 =	sadd.s32 s8, s13;
	s9 =	sadd.s32 s10, s13;
	s10 =	sadd.s32 s14, s13  }
0xf: {  	s14 =	sadd.s32 s11, s13;
	[dreg:$0x6] =	wrdreg s5;
	s5 =	sshrl.u32 s17, $0x3  }
0x10: {  	s12 =	sadd.s32 s4, s15;
	s17 =	sadd.s32 $0x600, s2;
	s15 =	sadd.s32 s15, s13  }
0x11: {  	s5 =	sadd.s32 s26, s5;
	s22 =	sshrl.u32 s12, $0x3;
	s12 =	rddreg [dreg:$0x2]  }
0x12: {  	s0 =	sshrl.u32 s7, $0x3;
	[dreg:$0x7] =	wrdreg s5;
	s5 =	sadd.s32 s26, s18  }
0x13: {  	[dreg:$0x8] =	wrdreg s5;
	s5 =	sadd.s32 s26, s20;
	s20 =	sadd.s32 $0xE000, s6  }
0x14: {  	[dreg:$0x9] =	wrdreg s5;
	s5 =	sshrl.u32 s21, $0x3;
	s23 =	sadd.s32 s4, s20  }
0x15: {  	s21 =	sadd.s32 $0x10000, s6;
	s6 =	sadd.s32 $0x12000, s6;
	s20 =	sadd.s32 s20, s13  }
0x16: {  	s5 =	sadd.s32 s26, s5;
	s24 =	sshrl.u32 s23, $0x3;
	s25 =	sadd.s32 s4, s21  }
0x17: {  	s4 =	sadd.s32 s4, s6;
	s21 =	sadd.s32 s21, s13;
	s6 =	sadd.s32 s6, s13  }
0x18: {  	s23 =	sshrl.u32 s9, $0x3;
	s28 =	sshrl.u32 s20, $0x3;
	s9 =	simm.s32 $0x2  }
0x19: {  	s20 =	simm.s32 $0x180;
	[dreg:$0xa] =	wrdreg s5;
	s5 =	sadd.s32 s26, s22  }
0x1a: {  	s4 =	sshrl.u32 s4, $0x3;
	[dreg:$0xb] =	wrdreg s5;
	s5 =	sadd.s32 s26, s24  }
0x1b: {  	s4 =	sadd.s32 s26, s4;
	[dreg:$0xc] =	wrdreg s5;
	s5 =	sshrl.u32 s25, $0x3  }
0x1c: {  	s22 =	sshrl.u32 s8, $0x3;
	[dreg:$0xe] =	wrdreg s4;
	s5 =	sadd.s32 s26, s5  }
0x1d: {  	s29 =	sshrl.u32 s21, $0x3;
	[dreg:$0xd] =	wrdreg s5;
	s5 =	smax.u32 s3, $0x1  }
0x1e: {  	s30 =	sshrl.u32 s6, $0x3;
	_ =	strace $0x80000047;
	[dreg:$0xf] =	wrdreg s5  }
0x1f: {  	s8 =	simm.s32 $0x2980;
	s21 =	simm.s32 $0x1;
	[dreg:$0x10] =	wrdreg s0  }
0x20: {  	s24 =	sshrl.u32 s10, $0x3;
	s10 =	simm.s32 $0x80;
	[dreg:$0x11] =	wrdreg s22  }
0x21: {  	s25 =	sshrl.u32 s14, $0x3;
	s14 =	simm.s32 $0x100;
	[dreg:$0x12] =	wrdreg s23  }
0x22: {  	s26 =	sshrl.u32 s16, $0x2;
	s16 =	sadd.s32 $0xA400, s2;
	[dreg:$0x13] =	wrdreg s24  }
0x23: {  	s18 =	sadd.s32 s26, s13;
	s26 =	sshrl.u32 s15, $0x3;
	[dreg:$0x14] =	wrdreg s25  }
0x24: {  	s15 =	simm.s32 $0x50;
	[dreg:$0x15] =	wrdreg s26;
	s31 =	sadd.s32 $0x2000, s18  }
0x25: {  	s11 =	sadd.s32 $0x4000, s18;
	s0 =	sadd.s32 $0x6000, s18;
	s2 =	sadd.s32 $0x8000, s18  }
0x26: {  	s3 =	sadd.s32 $0xA000, s18;
	s4 =	sadd.s32 $0xC000, s18;
	s5 =	sadd.s32 $0xE000, s18  }
0x27: {  	v0 =	vimm.f32 $0.0e+00;
	s6 =	sadd.s32 $0x10000, s18;
	s7 =	sadd.s32 $0x12000, s18;
	s22 =	simm.s32 $0x0  }
.LBB2_1:
0x28: {  	s24 =	simm.s32 $0x0  }
0x29: {  	s23 =	sand.u32 $0x7E00, s24  }
0x2a: {  	s24 =	sand.u32 $0x70, s24;
	s25 =	sshrl.u32 s23, $0x2  }
0x2b: {  	s23 =	simm.s32 $0x40;
	s25 =	sor.u32 s24, s25;
	s24 =	simm.s32 $0x0  }
.LBB2_2:
0x2c: {  	p0 =	sne.s32 s23, $0x7FC0  }
0x2d: {  	[tilespmem:s25+$0x2980] =	vst v0;
	s24 =	sadd.s32 $0x10, s24;
	s25 =	smov.u32 s23;
	s23 =	sadd.s32 $0x40, s23  }
.Ltmp0:
0x2e: {  	(pc) =	sbr.rel @p0 .LBB2_2-.Ltmp0, $4  }
0x2f: {  	_ = 	snop  }
0x30: {  	s25 =	sand.u32 $0x7E00, s25  }
0x31: {  	s26 =	sand.u32 $0x70, s24;
	s25 =	sshrl.u32 s25, $0x2  }
0x32: {  	s25 =	sor.u32 s26, s25  }
0x33: {  	[tilespmem:s25+$0x2980] =	vst v0  }
0x34: {  	[spmem:s18] =	stream.linear.scatter [tilespmem:s8], [sflag:$0x2], $0x2000, $0x38;
	[tilespmem:$0x18980] =	vst v63  }
0x35: {  	_ =	swait.ge [sflag:s9], $0x2000  }
0x36: {  	[sflag:s9] =	ssyncset.done $0x0  }
0x37: {  	[sflag:s9] =	ssyncadd.s32 $0xFFFFE000  }
0x38: {  	[spmem:s31] =	stream.linear.scatter [tilespmem:s8], [sflag:$0x2], $0x2000, $0x38;
	[tilespmem:$0x18980] =	vst v63  }
0x39: {  	_ =	swait.ge [sflag:s9], $0x2000  }
0x3a: {  	[sflag:s9] =	ssyncset.done $0x0  }
0x3b: {  	[sflag:s9] =	ssyncadd.s32 $0xFFFFE000  }
0x3c: {  	[spmem:s11] =	stream.linear.scatter [tilespmem:s8], [sflag:$0x2], $0x2000, $0x38;
	[tilespmem:$0x18980] =	vst v63  }
0x3d: {  	_ =	swait.ge [sflag:s9], $0x2000  }
0x3e: {  	[sflag:s9] =	ssyncset.done $0x0  }
0x3f: {  	[sflag:s9] =	ssyncadd.s32 $0xFFFFE000  }
0x40: {  	[spmem:s0] =	stream.linear.scatter [tilespmem:s8], [sflag:$0x2], $0x2000, $0x38;
	[tilespmem:$0x18980] =	vst v63  }
0x41: {  	_ =	swait.ge [sflag:s9], $0x2000  }
0x42: {  	[sflag:s9] =	ssyncset.done $0x0  }
0x43: {  	[sflag:s9] =	ssyncadd.s32 $0xFFFFE000  }
0x44: {  	[spmem:s2] =	stream.linear.scatter [tilespmem:s8], [sflag:$0x2], $0x2000, $0x38;
	[tilespmem:$0x18980] =	vst v63  }
0x45: {  	_ =	swait.ge [sflag:s9], $0x2000  }
0x46: {  	[sflag:s9] =	ssyncset.done $0x0  }
0x47: {  	[sflag:s9] =	ssyncadd.s32 $0xFFFFE000  }
0x48: {  	[spmem:s3] =	stream.linear.scatter [tilespmem:s8], [sflag:$0x2], $0x2000, $0x38;
	[tilespmem:$0x18980] =	vst v63  }
0x49: {  	_ =	swait.ge [sflag:s9], $0x2000  }
0x4a: {  	[sflag:s9] =	ssyncset.done $0x0  }
0x4b: {  	[sflag:s9] =	ssyncadd.s32 $0xFFFFE000  }
0x4c: {  	[spmem:s4] =	stream.linear.scatter [tilespmem:s8], [sflag:$0x2], $0x2000, $0x38;
	[tilespmem:$0x18980] =	vst v63  }
0x4d: {  	_ =	swait.ge [sflag:s9], $0x2000  }
0x4e: {  	[sflag:s9] =	ssyncset.done $0x0  }
0x4f: {  	[sflag:s9] =	ssyncadd.s32 $0xFFFFE000  }
0x50: {  	[spmem:s5] =	stream.linear.scatter [tilespmem:s8], [sflag:$0x2], $0x2000, $0x38;
	[tilespmem:$0x18980] =	vst v63  }
0x51: {  	_ =	swait.ge [sflag:s9], $0x2000  }
0x52: {  	[sflag:s9] =	ssyncset.done $0x0  }
0x53: {  	[sflag:s9] =	ssyncadd.s32 $0xFFFFE000  }
0x54: {  	[spmem:s6] =	stream.linear.scatter [tilespmem:s8], [sflag:$0x2], $0x2000, $0x38;
	[tilespmem:$0x18980] =	vst v63  }
0x55: {  	_ =	swait.ge [sflag:s9], $0x2000  }
0x56: {  	[sflag:s9] =	ssyncset.done $0x0  }
0x57: {  	[sflag:s9] =	ssyncadd.s32 $0xFFFFE000  }
0x58: {  	[spmem:s7] =	stream.linear.scatter [tilespmem:s8], [sflag:$0x2], $0x2000, $0x38;
	[tilespmem:$0x18980] =	vst v63  }
0x59: {  	_ =	swait.ge [sflag:s9], $0x2000  }
0x5a: {  	[sflag:s9] =	ssyncset.done $0x0  }
0x5b: {  	[sflag:s9] =	ssyncadd.s32 $0xFFFFE000  }
0x5c: {  	s23 =	simm.s32 $0x0;
	s24 =	simm.s32 $0x0;
	[bflag:$0x0] =	sbarrier.arrive $0xFFFF  }
.LBB2_4:
0x5d: {  	s25 =	smul.u32 $0x50, s24;
	_ =	sdelay $0x1  }
0x5e: {  	s25 =	sadd.s32 s19, s25  }
0x5f: {  	s25 =	sshrl.u32 s25, $0x3  }
0x60: {  	s26 =	sadd.s32 s17, s25  }
0x61: {  	[tilespmem:s23], [sflag:$0x2] =	stream.linear.gather [hbm4b:s26+s23], $0x50, $0x38;
	[tilespmem:$0x18980] =	vst v63  }
0x62: {  	_ =	swait.ge [sflag:s9], $0x50  }
0x63: {  	[sflag:s9] =	ssyncset.done $0x0  }
0x64: {  	s26 =	sadd.s32 s16, s25;
	[sflag:s9] =	ssyncadd.s32 $0xFFFFFFB0  }
0x65: {  	[tilespmem:s10], [sflag:$0x2] =	stream.linear.gather [hbm4b:s26+s23], $0x50, $0x38;
	[tilespmem:$0x18980] =	vst v63  }
0x66: {  	_ =	swait.ge [sflag:s9], $0x50  }
0x67: {  	[sflag:s9] =	ssyncset.done $0x0  }
0x68: {  	s25 =	sadd.s32 s12, s25;
	[sflag:s9] =	ssyncadd.s32 $0xFFFFFFB0  }
0x69: {  	[tilespmem:s14], [sflag:$0x2] =	stream.linear.gather [hbm4b:s25+s23], $0x50, $0x38;
	[tilespmem:$0x18980] =	vst v63  }
0x6a: {  	_ =	swait.ge [sflag:s9], $0x50  }
0x6b: {  	[sflag:s9] =	ssyncset.done $0x0  }
0x6c: {  	[sflag:s9] =	ssyncadd.s32 $0xFFFFFFB0  }
0x6d: {  	[tilespmem:s20], [sflag:$0x1] =	stream.indirect.gather [hbm4b:s1+s15], $0x80, s23, s15, $0xb8;
	[tilespmem:$0x18980] =	vst v63  }
0x6e: {  	_ =	swait.ge [sflag:s21], $0x2800  }
0x6f: {  	[sflag:s21] =	ssyncset.done $0x0  }
0x70: {  	s25 =	simm.s32 $0x0;
	[sflag:s21] =	ssyncadd.s32 $0xFFFFD800  }
.LBB2_5:
0x71: {  	s26 =	sshll.u32 s25, $0x4  }
0x72: {  	s26 =	sand.u32 $0x3FFFFFF0, s26  }
0x73: {  	v1 =	vld [tilespmem:s26+$0x100];
	s26 =	sshll.u32 s25, $0xB  }
0x74: {  	s26 =	sand.u32 $0x3FFFF800, s26  }
0x75: {  	v2 =	vld [tilespmem:s26+$0x180]  }
0x76: {  	v3 =	vld [tilespmem:s26+$0x190]  }
0x77: {  	v4 =	vld [tilespmem:s26+$0x1A0]  }
0x78: {  	v6 =	vld [tilespmem:s26+$0x1B0];
	v5 =	vbroadcast v1, $0x0  }
0x79: {  	v7 =	vld [tilespmem:s26+$0x1C0]  }
0x7a: {  	v8 =	vld [tilespmem:s26+$0x1D0];
	v2 =	vmul.f32 v5, v2  }
0x7b: {  	v9 =	vld [tilespmem:s26+$0x1E0];
	v3 =	vmul.f32 v3, v5  }
0x7c: {  	v34 =	vld [tilespmem:s26+$0x1F0];
	[tilespmem:s26+$0x180] =	vst v2;
	v2 =	vmul.f32 v4, v5  }
0x7d: {  	v35 =	vld [tilespmem:s26+$0x200];
	[tilespmem:s26+$0x190] =	vst v3;
	v3 =	vmul.f32 v6, v5  }
0x7e: {  	v36 =	vld [tilespmem:s26+$0x210];
	[tilespmem:s26+$0x1A0] =	vst v2;
	v2 =	vmul.f32 v7, v5  }
0x7f: {  	v37 =	vld [tilespmem:s26+$0x220];
	[tilespmem:s26+$0x1B0] =	vst v3;
	v3 =	vmul.f32 v8, v5  }
0x80: {  	v10 =	vld [tilespmem:s26+$0x230];
	v38 =	vbroadcast v1, $0x1;
	[tilespmem:s26+$0x1C0] =	vst v2;
	v2 =	vmul.f32 v9, v5  }
0x81: {  	v39 =	vld [tilespmem:s26+$0x240];
	[tilespmem:s26+$0x1D0] =	vst v3;
	v3 =	vmul.f32 v34, v5  }
0x82: {  	v40 =	vld [tilespmem:s26+$0x250];
	[tilespmem:s26+$0x1E0] =	vst v2;
	v2 =	vmul.f32 v35, v38  }
0x83: {  	v41 =	vld [tilespmem:s26+$0x260];
	[tilespmem:s26+$0x1F0] =	vst v3;
	v3 =	vmul.f32 v36, v38  }
0x84: {  	v42 =	vld [tilespmem:s26+$0x270];
	[tilespmem:s26+$0x200] =	vst v2;
	v2 =	vmul.f32 v37, v38  }
0x85: {  	v43 =	vld [tilespmem:s26+$0x280];
	[tilespmem:s26+$0x210] =	vst v3;
	v3 =	vmul.f32 v10, v38  }
0x86: {  	v44 =	vld [tilespmem:s26+$0x290];
	[tilespmem:s26+$0x220] =	vst v2;
	v2 =	vmul.f32 v39, v38  }
0x87: {  	v45 =	vld [tilespmem:s26+$0x2A0];
	[tilespmem:s26+$0x230] =	vst v3;
	v3 =	vmul.f32 v40, v38  }
0x88: {  	v47 =	vld [tilespmem:s26+$0x2B0];
	v46 =	vbroadcast v1, $0x2;
	[tilespmem:s26+$0x240] =	vst v2;
	v2 =	vmul.f32 v41, v38  }
0x89: {  	v48 =	vld [tilespmem:s26+$0x2C0];
	[tilespmem:s26+$0x250] =	vst v3;
	v3 =	vmul.f32 v42, v38  }
0x8a: {  	v49 =	vld [tilespmem:s26+$0x2D0];
	[tilespmem:s26+$0x260] =	vst v2;
	v2 =	vmul.f32 v43, v46  }
0x8b: {  	v50 =	vld [tilespmem:s26+$0x2E0];
	[tilespmem:s26+$0x270] =	vst v3;
	v3 =	vmul.f32 v44, v46  }
0x8c: {  	v51 =	vld [tilespmem:s26+$0x2F0];
	[tilespmem:s26+$0x280] =	vst v2;
	v2 =	vmul.f32 v45, v46  }
0x8d: {  	v52 =	vld [tilespmem:s26+$0x300];
	[tilespmem:s26+$0x290] =	vst v3;
	v3 =	vmul.f32 v47, v46  }
0x8e: {  	v53 =	vld [tilespmem:s26+$0x310];
	[tilespmem:s26+$0x2A0] =	vst v2;
	v2 =	vmul.f32 v48, v46  }
0x8f: {  	v54 =	vld [tilespmem:s26+$0x320];
	[tilespmem:s26+$0x2B0] =	vst v3;
	v3 =	vmul.f32 v49, v46  }
0x90: {  	v56 =	vld [tilespmem:s26+$0x330];
	v55 =	vbroadcast v1, $0x3;
	[tilespmem:s26+$0x2C0] =	vst v2;
	v2 =	vmul.f32 v50, v46  }
0x91: {  	v57 =	vld [tilespmem:s26+$0x340];
	[tilespmem:s26+$0x2D0] =	vst v3;
	v3 =	vmul.f32 v51, v46  }
0x92: {  	v58 =	vld [tilespmem:s26+$0x350];
	[tilespmem:s26+$0x2E0] =	vst v2;
	v2 =	vmul.f32 v52, v55  }
0x93: {  	v59 =	vld [tilespmem:s26+$0x360];
	[tilespmem:s26+$0x2F0] =	vst v3;
	v3 =	vmul.f32 v53, v55  }
0x94: {  	v60 =	vld [tilespmem:s26+$0x370];
	[tilespmem:s26+$0x300] =	vst v2;
	v2 =	vmul.f32 v54, v55  }
0x95: {  	v61 =	vld [tilespmem:s26+$0x380];
	[tilespmem:s26+$0x310] =	vst v3;
	v3 =	vmul.f32 v56, v55  }
0x96: {  	v62 =	vld [tilespmem:s26+$0x390];
	[tilespmem:s26+$0x320] =	vst v2;
	v2 =	vmul.f32 v57, v55  }
0x97: {  	v63 =	vld [tilespmem:s26+$0x3A0];
	[tilespmem:s26+$0x330] =	vst v3;
	v3 =	vmul.f32 v58, v55  }
0x98: {  	v13 =	vld [tilespmem:s26+$0x3B0];
	v12 =	vbroadcast v1, $0x4;
	[tilespmem:s26+$0x340] =	vst v2;
	v2 =	vmul.f32 v59, v55  }
0x99: {  	v14 =	vld [tilespmem:s26+$0x3C0];
	[tilespmem:s26+$0x350] =	vst v3;
	v3 =	vmul.f32 v60, v55  }
0x9a: {  	v15 =	vld [tilespmem:s26+$0x3D0];
	[tilespmem:s26+$0x360] =	vst v2;
	v2 =	vmul.f32 v61, v12  }
0x9b: {  	v16 =	vld [tilespmem:s26+$0x3E0];
	[tilespmem:s26+$0x370] =	vst v3;
	v3 =	vmul.f32 v62, v12  }
0x9c: {  	v17 =	vld [tilespmem:s26+$0x3F0];
	[tilespmem:s26+$0x380] =	vst v2;
	v2 =	vmul.f32 v63, v12  }
0x9d: {  	v18 =	vld [tilespmem:s26+$0x400];
	[tilespmem:s26+$0x390] =	vst v3;
	v3 =	vmul.f32 v13, v12  }
0x9e: {  	v19 =	vld [tilespmem:s26+$0x410];
	[tilespmem:s26+$0x3A0] =	vst v2;
	v2 =	vmul.f32 v14, v12  }
0x9f: {  	v20 =	vld [tilespmem:s26+$0x420];
	[tilespmem:s26+$0x3B0] =	vst v3;
	v3 =	vmul.f32 v15, v12  }
0xa0: {  	v22 =	vld [tilespmem:s26+$0x430];
	v21 =	vbroadcast v1, $0x5;
	[tilespmem:s26+$0x3C0] =	vst v2;
	v2 =	vmul.f32 v16, v12  }
0xa1: {  	v23 =	vld [tilespmem:s26+$0x440];
	[tilespmem:s26+$0x3D0] =	vst v3;
	v3 =	vmul.f32 v17, v12  }
0xa2: {  	v24 =	vld [tilespmem:s26+$0x450];
	[tilespmem:s26+$0x3E0] =	vst v2;
	v2 =	vmul.f32 v18, v21  }
0xa3: {  	v25 =	vld [tilespmem:s26+$0x460];
	[tilespmem:s26+$0x3F0] =	vst v3;
	v3 =	vmul.f32 v19, v21  }
0xa4: {  	v26 =	vld [tilespmem:s26+$0x470];
	[tilespmem:s26+$0x400] =	vst v2;
	v2 =	vmul.f32 v20, v21  }
0xa5: {  	v27 =	vld [tilespmem:s26+$0x480];
	[tilespmem:s26+$0x410] =	vst v3;
	v3 =	vmul.f32 v22, v21  }
0xa6: {  	v28 =	vld [tilespmem:s26+$0x490];
	[tilespmem:s26+$0x420] =	vst v2;
	v2 =	vmul.f32 v23, v21  }
0xa7: {  	v29 =	vld [tilespmem:s26+$0x4A0];
	[tilespmem:s26+$0x430] =	vst v3;
	v3 =	vmul.f32 v24, v21  }
0xa8: {  	v31 =	vld [tilespmem:s26+$0x4B0];
	v30 =	vbroadcast v1, $0x6;
	[tilespmem:s26+$0x440] =	vst v2;
	v2 =	vmul.f32 v25, v21  }
0xa9: {  	v32 =	vld [tilespmem:s26+$0x4C0];
	[tilespmem:s26+$0x450] =	vst v3;
	v3 =	vmul.f32 v26, v21  }
0xaa: {  	v33 =	vld [tilespmem:s26+$0x4D0];
	[tilespmem:s26+$0x460] =	vst v2;
	v2 =	vmul.f32 v27, v30  }
0xab: {  	v34 =	vld [tilespmem:s26+$0x4E0];
	[tilespmem:s26+$0x470] =	vst v3;
	v3 =	vmul.f32 v28, v30  }
0xac: {  	v35 =	vld [tilespmem:s26+$0x4F0];
	[tilespmem:s26+$0x480] =	vst v2;
	v2 =	vmul.f32 v29, v30  }
0xad: {  	v36 =	vld [tilespmem:s26+$0x500];
	[tilespmem:s26+$0x490] =	vst v3;
	v3 =	vmul.f32 v31, v30  }
0xae: {  	v37 =	vld [tilespmem:s26+$0x510];
	[tilespmem:s26+$0x4A0] =	vst v2;
	v2 =	vmul.f32 v32, v30  }
0xaf: {  	v38 =	vld [tilespmem:s26+$0x520];
	[tilespmem:s26+$0x4B0] =	vst v3;
	v3 =	vmul.f32 v33, v30  }
0xb0: {  	v39 =	vbroadcast v1, $0x7;
	v40 =	vld [tilespmem:s26+$0x530];
	[tilespmem:s26+$0x4C0] =	vst v2;
	v2 =	vmul.f32 v34, v30  }
0xb1: {  	v41 =	vld [tilespmem:s26+$0x540];
	[tilespmem:s26+$0x4D0] =	vst v3;
	v3 =	vmul.f32 v35, v30  }
0xb2: {  	v42 =	vld [tilespmem:s26+$0x550];
	[tilespmem:s26+$0x4E0] =	vst v2;
	v2 =	vmul.f32 v36, v39  }
0xb3: {  	v43 =	vld [tilespmem:s26+$0x560];
	[tilespmem:s26+$0x4F0] =	vst v3;
	v3 =	vmul.f32 v37, v39  }
0xb4: {  	v44 =	vld [tilespmem:s26+$0x570];
	[tilespmem:s26+$0x500] =	vst v2;
	v2 =	vmul.f32 v38, v39  }
0xb5: {  	v45 =	vld [tilespmem:s26+$0x580];
	[tilespmem:s26+$0x510] =	vst v3;
	v3 =	vmul.f32 v40, v39  }
0xb6: {  	v46 =	vld [tilespmem:s26+$0x590];
	[tilespmem:s26+$0x520] =	vst v2;
	v2 =	vmul.f32 v41, v39  }
0xb7: {  	v47 =	vld [tilespmem:s26+$0x5A0];
	[tilespmem:s26+$0x530] =	vst v3;
	v3 =	vmul.f32 v42, v39  }
0xb8: {  	v48 =	vbroadcast v1, $0x8;
	v49 =	vld [tilespmem:s26+$0x5B0];
	[tilespmem:s26+$0x540] =	vst v2;
	v2 =	vmul.f32 v43, v39  }
0xb9: {  	v50 =	vld [tilespmem:s26+$0x5C0];
	[tilespmem:s26+$0x550] =	vst v3;
	v3 =	vmul.f32 v44, v39  }
0xba: {  	v51 =	vld [tilespmem:s26+$0x5D0];
	[tilespmem:s26+$0x560] =	vst v2;
	v2 =	vmul.f32 v45, v48  }
0xbb: {  	v52 =	vld [tilespmem:s26+$0x5E0];
	[tilespmem:s26+$0x570] =	vst v3;
	v3 =	vmul.f32 v46, v48  }
0xbc: {  	v53 =	vld [tilespmem:s26+$0x5F0];
	[tilespmem:s26+$0x580] =	vst v2;
	v2 =	vmul.f32 v47, v48  }
0xbd: {  	v54 =	vld [tilespmem:s26+$0x600];
	[tilespmem:s26+$0x590] =	vst v3;
	v3 =	vmul.f32 v49, v48  }
0xbe: {  	v55 =	vld [tilespmem:s26+$0x610];
	[tilespmem:s26+$0x5A0] =	vst v2;
	v2 =	vmul.f32 v50, v48  }
0xbf: {  	v56 =	vld [tilespmem:s26+$0x620];
	[tilespmem:s26+$0x5B0] =	vst v3;
	v3 =	vmul.f32 v51, v48  }
0xc0: {  	v57 =	vbroadcast v1, $0x9;
	v58 =	vld [tilespmem:s26+$0x630];
	[tilespmem:s26+$0x5C0] =	vst v2;
	v2 =	vmul.f32 v52, v48  }
0xc1: {  	v59 =	vld [tilespmem:s26+$0x640];
	[tilespmem:s26+$0x5D0] =	vst v3;
	v3 =	vmul.f32 v53, v48  }
0xc2: {  	v60 =	vld [tilespmem:s26+$0x650];
	[tilespmem:s26+$0x5E0] =	vst v2;
	v2 =	vmul.f32 v54, v57  }
0xc3: {  	v61 =	vld [tilespmem:s26+$0x660];
	[tilespmem:s26+$0x5F0] =	vst v3;
	v3 =	vmul.f32 v55, v57  }
0xc4: {  	v62 =	vld [tilespmem:s26+$0x670];
	[tilespmem:s26+$0x600] =	vst v2;
	v2 =	vmul.f32 v56, v57  }
0xc5: {  	v63 =	vld [tilespmem:s26+$0x680];
	[tilespmem:s26+$0x610] =	vst v3;
	v3 =	vmul.f32 v58, v57  }
0xc6: {  	v12 =	vld [tilespmem:s26+$0x690];
	[tilespmem:s26+$0x620] =	vst v2;
	v2 =	vmul.f32 v59, v57  }
0xc7: {  	v13 =	vld [tilespmem:s26+$0x6A0];
	[tilespmem:s26+$0x630] =	vst v3;
	v3 =	vmul.f32 v60, v57  }
0xc8: {  	v14 =	vbroadcast v1, $0xA;
	v15 =	vld [tilespmem:s26+$0x6B0];
	[tilespmem:s26+$0x640] =	vst v2;
	v2 =	vmul.f32 v61, v57  }
0xc9: {  	v16 =	vld [tilespmem:s26+$0x6C0];
	[tilespmem:s26+$0x650] =	vst v3;
	v3 =	vmul.f32 v62, v57  }
0xca: {  	v17 =	vld [tilespmem:s26+$0x6D0];
	[tilespmem:s26+$0x660] =	vst v2;
	v2 =	vmul.f32 v63, v14  }
0xcb: {  	v18 =	vld [tilespmem:s26+$0x6E0];
	[tilespmem:s26+$0x670] =	vst v3;
	v3 =	vmul.f32 v12, v14  }
0xcc: {  	v19 =	vld [tilespmem:s26+$0x6F0];
	[tilespmem:s26+$0x680] =	vst v2;
	v2 =	vmul.f32 v13, v14  }
0xcd: {  	v20 =	vld [tilespmem:s26+$0x700];
	[tilespmem:s26+$0x690] =	vst v3;
	v3 =	vmul.f32 v15, v14  }
0xce: {  	v21 =	vld [tilespmem:s26+$0x710];
	[tilespmem:s26+$0x6A0] =	vst v2;
	v2 =	vmul.f32 v16, v14  }
0xcf: {  	v22 =	vld [tilespmem:s26+$0x720];
	[tilespmem:s26+$0x6B0] =	vst v3;
	v3 =	vmul.f32 v17, v14  }
0xd0: {  	v23 =	vbroadcast v1, $0xB;
	v24 =	vld [tilespmem:s26+$0x730];
	[tilespmem:s26+$0x6C0] =	vst v2;
	v2 =	vmul.f32 v18, v14  }
0xd1: {  	v25 =	vld [tilespmem:s26+$0x740];
	[tilespmem:s26+$0x6D0] =	vst v3;
	v3 =	vmul.f32 v19, v14  }
0xd2: {  	v26 =	vld [tilespmem:s26+$0x750];
	[tilespmem:s26+$0x6E0] =	vst v2;
	v2 =	vmul.f32 v20, v23  }
0xd3: {  	v27 =	vld [tilespmem:s26+$0x760];
	[tilespmem:s26+$0x6F0] =	vst v3;
	v3 =	vmul.f32 v21, v23  }
0xd4: {  	v28 =	vld [tilespmem:s26+$0x770];
	[tilespmem:s26+$0x700] =	vst v2;
	v2 =	vmul.f32 v22, v23  }
0xd5: {  	v29 =	vld [tilespmem:s26+$0x780];
	[tilespmem:s26+$0x710] =	vst v3;
	v3 =	vmul.f32 v24, v23  }
0xd6: {  	v30 =	vld [tilespmem:s26+$0x790];
	[tilespmem:s26+$0x720] =	vst v2;
	v2 =	vmul.f32 v25, v23  }
0xd7: {  	v31 =	vld [tilespmem:s26+$0x7A0];
	[tilespmem:s26+$0x730] =	vst v3;
	v3 =	vmul.f32 v26, v23  }
0xd8: {  	v32 =	vbroadcast v1, $0xC;
	v33 =	vld [tilespmem:s26+$0x7B0];
	[tilespmem:s26+$0x740] =	vst v2;
	v2 =	vmul.f32 v27, v23  }
0xd9: {  	v34 =	vld [tilespmem:s26+$0x7C0];
	[tilespmem:s26+$0x750] =	vst v3;
	v3 =	vmul.f32 v28, v23  }
0xda: {  	v35 =	vld [tilespmem:s26+$0x7D0];
	[tilespmem:s26+$0x760] =	vst v2;
	v2 =	vmul.f32 v29, v32  }
0xdb: {  	v36 =	vld [tilespmem:s26+$0x7E0];
	[tilespmem:s26+$0x770] =	vst v3;
	v3 =	vmul.f32 v30, v32  }
0xdc: {  	v37 =	vld [tilespmem:s26+$0x7F0];
	[tilespmem:s26+$0x780] =	vst v2;
	v2 =	vmul.f32 v31, v32  }
0xdd: {  	v38 =	vld [tilespmem:s26+$0x800];
	[tilespmem:s26+$0x790] =	vst v3;
	v3 =	vmul.f32 v33, v32  }
0xde: {  	v39 =	vld [tilespmem:s26+$0x810];
	[tilespmem:s26+$0x7A0] =	vst v2;
	v2 =	vmul.f32 v34, v32  }
0xdf: {  	v40 =	vld [tilespmem:s26+$0x820];
	[tilespmem:s26+$0x7B0] =	vst v3;
	v3 =	vmul.f32 v35, v32  }
0xe0: {  	v41 =	vbroadcast v1, $0xD;
	v42 =	vld [tilespmem:s26+$0x830];
	[tilespmem:s26+$0x7C0] =	vst v2;
	v2 =	vmul.f32 v36, v32  }
0xe1: {  	v43 =	vld [tilespmem:s26+$0x840];
	[tilespmem:s26+$0x7D0] =	vst v3;
	v3 =	vmul.f32 v37, v32  }
0xe2: {  	v44 =	vld [tilespmem:s26+$0x850];
	[tilespmem:s26+$0x7E0] =	vst v2;
	v2 =	vmul.f32 v38, v41  }
0xe3: {  	v45 =	vld [tilespmem:s26+$0x860];
	[tilespmem:s26+$0x7F0] =	vst v3;
	v3 =	vmul.f32 v39, v41  }
0xe4: {  	v46 =	vld [tilespmem:s26+$0x870];
	[tilespmem:s26+$0x800] =	vst v2;
	v2 =	vmul.f32 v40, v41  }
0xe5: {  	v47 =	vld [tilespmem:s26+$0x880];
	[tilespmem:s26+$0x810] =	vst v3;
	v3 =	vmul.f32 v42, v41  }
0xe6: {  	v48 =	vld [tilespmem:s26+$0x890];
	[tilespmem:s26+$0x820] =	vst v2;
	v2 =	vmul.f32 v43, v41  }
0xe7: {  	v49 =	vld [tilespmem:s26+$0x8A0];
	[tilespmem:s26+$0x830] =	vst v3;
	v3 =	vmul.f32 v44, v41  }
0xe8: {  	v50 =	vbroadcast v1, $0xE;
	v51 =	vld [tilespmem:s26+$0x8B0];
	[tilespmem:s26+$0x840] =	vst v2;
	v2 =	vmul.f32 v45, v41  }
0xe9: {  	v52 =	vld [tilespmem:s26+$0x8C0];
	[tilespmem:s26+$0x850] =	vst v3;
	v3 =	vmul.f32 v46, v41  }
0xea: {  	v53 =	vld [tilespmem:s26+$0x8D0];
	[tilespmem:s26+$0x860] =	vst v2;
	v2 =	vmul.f32 v47, v50  }
0xeb: {  	v54 =	vld [tilespmem:s26+$0x8E0];
	[tilespmem:s26+$0x870] =	vst v3;
	v3 =	vmul.f32 v48, v50  }
0xec: {  	v55 =	vld [tilespmem:s26+$0x8F0];
	[tilespmem:s26+$0x880] =	vst v2;
	v2 =	vmul.f32 v49, v50  }
0xed: {  	v56 =	vld [tilespmem:s26+$0x900];
	[tilespmem:s26+$0x890] =	vst v3;
	v3 =	vmul.f32 v51, v50  }
0xee: {  	v57 =	vld [tilespmem:s26+$0x910];
	[tilespmem:s26+$0x8A0] =	vst v2;
	v2 =	vmul.f32 v52, v50  }
0xef: {  	v58 =	vld [tilespmem:s26+$0x920];
	[tilespmem:s26+$0x8B0] =	vst v3;
	v3 =	vmul.f32 v53, v50  }
0xf0: {  	v1 =	vbroadcast v1, $0xF;
	v59 =	vld [tilespmem:s26+$0x930];
	[tilespmem:s26+$0x8C0] =	vst v2;
	v2 =	vmul.f32 v54, v50  }
0xf1: {  	v60 =	vld [tilespmem:s26+$0x940];
	[tilespmem:s26+$0x8D0] =	vst v3;
	v3 =	vmul.f32 v55, v50  }
0xf2: {  	v61 =	vld [tilespmem:s26+$0x950];
	[tilespmem:s26+$0x8E0] =	vst v2;
	v2 =	vmul.f32 v56, v1  }
0xf3: {  	v62 =	vld [tilespmem:s26+$0x960];
	[tilespmem:s26+$0x8F0] =	vst v3;
	v3 =	vmul.f32 v57, v1  }
0xf4: {  	v63 =	vld [tilespmem:s26+$0x970];
	[tilespmem:s26+$0x900] =	vst v2;
	v2 =	vmul.f32 v58, v1  }
0xf5: {  	[tilespmem:s26+$0x910] =	vst v3;
	v3 =	vmul.f32 v59, v1  }
0xf6: {  	p0 =	sne.s32 s25, $0x4;
	[tilespmem:s26+$0x920] =	vst v2;
	v2 =	vmul.f32 v60, v1  }
.Ltmp1:
0xf7: {  	[tilespmem:s26+$0x930] =	vst v3;
	v3 =	vmul.f32 v61, v1;
	(pc) =	sbr.rel @p0 .LBB2_5-.Ltmp1, $4  }
0xf8: {  	[tilespmem:s26+$0x940] =	vst v2;
	v2 =	vmul.f32 v62, v1  }
0xf9: {  	[tilespmem:s26+$0x950] =	vst v3;
	v1 =	vmul.f32 v63, v1  }
0xfa: {  	[tilespmem:s26+$0x960] =	vst v2  }
0xfb: {  	s25 =	sadd.s32 $0x1, s25;
	[tilespmem:s26+$0x970] =	vst v1  }
0xfc: {  	s24 =	sadd.s32 $0x1, s24  }
0xfd: {  	p0 =	sne.s32 s24, $0x7D  }
.Ltmp2:
0xfe: {  	_ = 	snop;
	(pc) =	sbr.rel @p0 .LBB2_4-.Ltmp2, $4  }
0xff: {  	[spmem:s13] =	stream.indirect.scatter.add.f32 [tilespmem:s20], [sflag:$0x2], $0x80, s10, s15, $0xb8;
	[tilespmem:$0x18980] =	vst v63  }
0x100: {  	_ =	swait.ge [sflag:s9], $0x2800  }
0x101: {  	[sflag:s9] =	ssyncset.done $0x0  }
0x102: {  	[sflag:s9] =	ssyncadd.s32 $0xFFFFD800  }
0x103: {  	s23 =	stileid.u32  }
0x104: {  	[bflag:$0x0] =	sbarrier.arrive $0xFFFF;
	s23 =	sshll.u32 s23, $0x6  }
0x105: {  	s24 =	sshrl.u32 s18, $0x3;
	s25 =	rddreg [dreg:$0x5];
	s23 =	sor.u32 $0x1C02, s23  }
0x106: {  	[hbm:s25], [sflag:s23] =	dma.local [spmem:s24], $0x400  }
0x107: {  	_ =	swait.ge [sflag:s9], $0x400  }
0x108: {  	[sflag:s9] =	ssyncset.done $0x0;
	s25 =	rddreg [dreg:$0x6]  }
0x109: {  	s26 =	rddreg [dreg:$0x10];
	[sflag:s9] =	ssyncadd.s32 $0xFFFFFC00  }
0x10a: {  	[hbm:s25], [sflag:s23] =	dma.local [spmem:s26], $0x400  }
0x10b: {  	_ =	swait.ge [sflag:s9], $0x400  }
0x10c: {  	[sflag:s9] =	ssyncset.done $0x0;
	s25 =	rddreg [dreg:$0x7]  }
0x10d: {  	s26 =	rddreg [dreg:$0x11];
	[sflag:s9] =	ssyncadd.s32 $0xFFFFFC00  }
0x10e: {  	[hbm:s25], [sflag:s23] =	dma.local [spmem:s26], $0x400  }
0x10f: {  	_ =	swait.ge [sflag:s9], $0x400  }
0x110: {  	[sflag:s9] =	ssyncset.done $0x0;
	s25 =	rddreg [dreg:$0x8]  }
0x111: {  	s26 =	rddreg [dreg:$0x12];
	[sflag:s9] =	ssyncadd.s32 $0xFFFFFC00  }
0x112: {  	[hbm:s25], [sflag:s23] =	dma.local [spmem:s26], $0x400  }
0x113: {  	_ =	swait.ge [sflag:s9], $0x400  }
0x114: {  	[sflag:s9] =	ssyncset.done $0x0;
	s25 =	rddreg [dreg:$0x9]  }
0x115: {  	s26 =	rddreg [dreg:$0x13];
	[sflag:s9] =	ssyncadd.s32 $0xFFFFFC00  }
0x116: {  	[hbm:s25], [sflag:s23] =	dma.local [spmem:s26], $0x400  }
0x117: {  	_ =	swait.ge [sflag:s9], $0x400  }
0x118: {  	[sflag:s9] =	ssyncset.done $0x0;
	s25 =	rddreg [dreg:$0xa]  }
0x119: {  	s26 =	rddreg [dreg:$0x14];
	[sflag:s9] =	ssyncadd.s32 $0xFFFFFC00  }
0x11a: {  	[hbm:s25], [sflag:s23] =	dma.local [spmem:s26], $0x400  }
0x11b: {  	_ =	swait.ge [sflag:s9], $0x400  }
0x11c: {  	[sflag:s9] =	ssyncset.done $0x0;
	s25 =	rddreg [dreg:$0xb]  }
0x11d: {  	s26 =	rddreg [dreg:$0x15];
	[sflag:s9] =	ssyncadd.s32 $0xFFFFFC00  }
0x11e: {  	[hbm:s25], [sflag:s23] =	dma.local [spmem:s26], $0x400  }
0x11f: {  	_ =	swait.ge [sflag:s9], $0x400  }
0x120: {  	[sflag:s9] =	ssyncset.done $0x0  }
0x121: {  	s25 =	rddreg [dreg:$0xc];
	[sflag:s9] =	ssyncadd.s32 $0xFFFFFC00  }
0x122: {  	[hbm:s25], [sflag:s23] =	dma.local [spmem:s28], $0x400  }
0x123: {  	_ =	swait.ge [sflag:s9], $0x400  }
0x124: {  	[sflag:s9] =	ssyncset.done $0x0  }
0x125: {  	s26 =	rddreg [dreg:$0xd];
	[sflag:s9] =	ssyncadd.s32 $0xFFFFFC00  }
0x126: {  	[hbm:s26], [sflag:s23] =	dma.local [spmem:s29], $0x400  }
0x127: {  	_ =	swait.ge [sflag:s9], $0x400  }
0x128: {  	[sflag:s9] =	ssyncset.done $0x0  }
0x129: {  	s25 =	rddreg [dreg:$0xe];
	[sflag:s9] =	ssyncadd.s32 $0xFFFFFC00  }
0x12a: {  	[hbm:s25], [sflag:s23] =	dma.local [spmem:s30], $0x400  }
0x12b: {  	_ =	swait.ge [sflag:s9], $0x400  }
0x12c: {  	s22 =	sadd.s32 $0x1, s22;
	s26 =	rddreg [dreg:$0xf]  }
0x12d: {  	p0 =	sne.s32 s22, s26  }
.Ltmp3:
0x12e: {  	_ = 	snop;
	(pc) =	sbr.rel @p0 .LBB2_1-.Ltmp3, $3  }
0x12f: {  	_ =	sdelay $0x1  }
0x130: {  	[sflag:s9] =	ssyncset.done $0x0  }
0x131: {  	[sflag:s9] =	ssyncadd.s32 $0xFFFFFC00  }
0x132: {  	_ =	sfence.sel $0x180000  }
0x133: {  	[bflag:$0x0] =	sbarrier.arrive $0xFFFF  }
0x134: {  	_ =	strace $0x90000047  }
0x135: {  	s0 =	stileid.u32;
	[bflag:$0x2] =	sbarrier.arrive $0xFFFF  }
0x136: {  	p0 =	sne.s32 s0, $0x0;
	s0 =	rddreg [dreg:$0x4]  }
0x137: {  	s0 =	sadd.s32 @!p0 $0x100000, s0  }
0x138: {  	[sflag:s0] =	ssyncadd.tile.s32 @!p0 $0x1;
	_ =	shalt  }
.Lfunc_end2:
_tile_overlayer_lowered:
.L_overlay_start_2:
0x139: {  	(tag) =	ssettag $0x2  }
0x13a: {  	s0 =	rddreg [dreg:$0x0];
	s2 =	stileid.u32  }
0x13b: {  	s1 =	rddreg [dreg:$0x1];
	p0 =	sne.s32 s2, $0x0  }
0x13c: {  	s3 =	rddreg [dreg:$0x2];
	[bflag:$0x3] =	sbarrier.arrive $0xFFFF;
	s2 =	simm.s32 @!p0 $0x1C02  }
0x13d: {  	[timem:s3], [sflag:s2] =	dma.local @!p0 [hbm:s0], s1  }
0x13e: {  	s0 =	simm.s32 @!p0 $0x2  }
0x13f: {  	_ =	swait.ge @!p0 [sflag:s0], s1  }
0x140: {  	s1 =	ssub.s32 @!p0 $0x0, s1;
	[sflag:s0] =	ssyncset.done @!p0 $0x0  }
0x141: {  	[sflag:s0] =	ssyncadd.s32 @!p0 s1  }
0x142: {  	[bflag:$0x3] =	sbarrier.arrive $0xFFFF  }
0x143: {  	_ =	shalt  }

</sc_bundles>
